<compile_context>
chip_gen: v7x
topology: tpu7x:2x2x1
jax: 0.10.2.dev20260603
libtpu: 0.0.44.dev20260713+nightly
codegen_flags: <defaults>
</compile_context>

<pallas_src>
import functools

import jax
import jax.numpy as jnp
from jax import lax
from jax.experimental import pallas as pl
from jax.experimental.pallas import tpu as pltpu
from jax.experimental.pallas import tpu_sc as plsc

DIM = 128
K = 65536
BATCH = 4096
NW = 32
CW = 384
NCH = (K - BATCH) // (CW * NW)
WIN_W = BATCH // NW
NBUF = 2
DEPTH = 1


def _tr_body(keys_ref, out_ref):
    out_ref[...] = keys_ref[...].T


def _transpose_tc(keys):
    return pl.pallas_call(
        _tr_body,
        grid=(BATCH // 512,),
        in_specs=[pl.BlockSpec((512, DIM), lambda i: (i, 0))],
        out_specs=pl.BlockSpec((DIM, 512), lambda i: (0, i)),
        out_shape=jax.ShapeDtypeStruct((DIM, BATCH), jnp.float32),
    )(keys)


def _sc_body(keyst_hbm, q_hbm, ptr_hbm, out_hbm, ptr_out_hbm,
             bufs, tv, pv, isems, osems, wsem, wsem2):
    wid = lax.axis_index("s") * 2 + lax.axis_index("c")

    pltpu.sync_copy(ptr_hbm, pv)
    pvec = pv[...]
    p_raw = pvec[0]
    p = pl.multiple_of(jnp.clip(p_raw, 0, K - BATCH), CW)

    def col_of(i):
        base = (wid * NCH + i) * CW
        return pl.multiple_of(jnp.where(base >= p, base + BATCH, base), CW)

    def start_in(i):
        c = pltpu.make_async_copy(
            q_hbm.at[:, pl.ds(col_of(i), CW)], bufs.at[i % NBUF], isems.at[i % NBUF]
        )
        c.start()
        return c

    def start_out(i):
        c = pltpu.make_async_copy(
            bufs.at[i % NBUF], out_hbm.at[:, pl.ds(col_of(i), CW)], osems.at[i % NBUF]
        )
        c.start()
        return c

    ins = {}
    outs = {}
    out_waited = set()
    for i in range(min(DEPTH, NCH)):
        ins[i] = start_in(i)

    kin = pltpu.make_async_copy(
        keyst_hbm.at[:, pl.ds(wid * WIN_W, WIN_W)], tv, wsem
    )
    kin.start()

    for i in range(NCH):
        ins[i].wait()
        outs[i] = start_out(i)
        j = i + DEPTH
        if j < NCH:
            if j - NBUF >= 0:
                outs[j - NBUF].wait()
                out_waited.add(j - NBUF)
            ins[j] = start_in(j)

    kin.wait()
    wout = pltpu.make_async_copy(
        tv, out_hbm.at[:, pl.ds(p + wid * WIN_W, WIN_W)], wsem2
    )
    wout.start()

    @pl.when(wid == 0)
    def _():
        new_ptr = lax.rem(pvec + BATCH, jnp.full((16,), K, jnp.int32))
        pv[...] = new_ptr
        pltpu.sync_copy(pv.at[pl.ds(0, 1)], ptr_out_hbm)

    for i in range(NCH):
        if i not in out_waited:
            outs[i].wait()
    wout.wait()


def kernel(keys, queue, queue_ptr):
    keyst = _transpose_tc(keys)
    ptr_vec = jnp.broadcast_to(queue_ptr.astype(jnp.int32), (16,))
    mesh = plsc.VectorSubcoreMesh(core_axis_name="c", subcore_axis_name="s")
    sc = functools.partial(
        pl.kernel,
        out_type=[
            jax.ShapeDtypeStruct((DIM, K), jnp.float32),
            jax.ShapeDtypeStruct((1,), jnp.int32),
        ],
        mesh=mesh,
        scratch_types=[
            pltpu.VMEM((NBUF, DIM, CW), jnp.float32),
            pltpu.VMEM((DIM, WIN_W), jnp.float32),
            pltpu.VMEM((16,), jnp.int32),
            pltpu.SemaphoreType.DMA((NBUF,)),
            pltpu.SemaphoreType.DMA((NBUF,)),
            pltpu.SemaphoreType.DMA,
            pltpu.SemaphoreType.DMA,
        ],
    )(_sc_body)
    new_queue, new_ptr = sc(keyst, queue, ptr_vec)
    return new_queue, new_ptr.astype(queue_ptr.dtype)

# --- scband reference (transcript-rebuilt; emitter-appended) ---
"""Pipeline reference for scband-queue-module-55087250539199 (READ-ONLY COPY).

The authoritative reference and input builder live on the scoring server;
editing this copy changes nothing except your own understanding.
"""

import jax, jax.numpy as jnp
import numpy as np

DIM = 128
K = 65536
BATCH = 4096


def setup_inputs(seed: int = 0) -> dict:
    key = jax.random.key(seed)
    k1, k2 = jax.random.split(key)
    keys = jax.random.normal(k1, (BATCH, DIM), dtype=jnp.float32)
    queue = jax.random.normal(k2, (DIM, K), dtype=jnp.float32)
    # __init__ normalizes the queue buffer along dim 0
    queue = queue / jnp.linalg.norm(queue, axis=0, keepdims=True)
    queue_ptr = jnp.zeros((1,), dtype=jnp.int64)
    return {"keys": keys, "queue": queue, "queue_ptr": queue_ptr}


def reference(keys, queue, queue_ptr):
    # dequeue_and_enqueue: overwrite K-slot circular buffer columns [ptr, ptr+B)
    batch_size = keys.shape[0]
    ptr = queue_ptr[0]
    new_queue = jax.lax.dynamic_update_slice(queue, keys.T, (jnp.asarray(0, ptr.dtype), ptr))
    new_ptr = (ptr + batch_size) % K
    new_queue_ptr = queue_ptr.at[0].set(new_ptr)
    return new_queue, new_queue_ptr

if __name__ == "__main__":
    import jax
    _d = setup_inputs()
    print(jax.jit(kernel)(*tuple(_d.values())))

</pallas_src>

<mosaic_0001>
#map = affine_map<(d0, d1) -> (0, 0)>
#map1 = affine_map<(d0, d1) -> (0)>
module attributes {stable_mosaic.version = 14 : i64} {
  func.func @_sc_body(%arg0: i32, %arg1: i32, %arg2: memref<128x4096xf32, #tpu.memory_space<hbm>>, %arg3: memref<128x65536xf32, #tpu.memory_space<hbm>>, %arg4: memref<16xi32, #tpu.memory_space<hbm>>, %arg5: memref<128x65536xf32, #tpu.memory_space<hbm>>, %arg6: memref<1xi32, #tpu.memory_space<hbm>>, %arg7: memref<2x128x384xf32, #tpu.memory_space<vmem>>, %arg8: memref<128x128xf32, #tpu.memory_space<vmem>>, %arg9: memref<16xi32, #tpu.memory_space<vmem>>, %arg10: memref<2x!tpu.dma_semaphore, #tpu.memory_space<semaphore_mem>>, %arg11: memref<2x!tpu.dma_semaphore, #tpu.memory_space<semaphore_mem>>, %arg12: memref<!tpu.dma_semaphore, #tpu.memory_space<semaphore_mem>>, %arg13: memref<!tpu.dma_semaphore, #tpu.memory_space<semaphore_mem>>) attributes {dimension_semantics = [#tpu.dimension_semantics<core_parallel>, #tpu.dimension_semantics<subcore_parallel>], iteration_bounds = array<i64: 2, 16>, scalar_prefetch = 0 : i64, scratch_operands = 7 : i64, tpu.core_type = #tpu.core_type<sc_vector_subcore>, window_params = [{transform_indices = #map}, {transform_indices = #map}, {transform_indices = #map1}, {transform_indices = #map}, {transform_indices = #map1}]} {
    %mul3A = arith.constant 2 : i32
    %mul3A_0 = arith.muli %arg1, %mul3A : i32
    %add3A = arith.addi %mul3A_0, %arg0 : i32
    "tpu.region"() ({
      %run_scoped3A = tpu.sem_alloc : memref<!tpu.dma_semaphore, #tpu.memory_space<semaphore_mem>>
      tpu.enqueue_dma source(%arg4 : memref<16xi32, #tpu.memory_space<hbm>>) target(%arg9 : memref<16xi32, #tpu.memory_space<vmem>>) target_semaphore(%run_scoped3A : memref<!tpu.dma_semaphore, #tpu.memory_space<semaphore_mem>>)
      tpu.wait_dma2 semaphore(%run_scoped3A : memref<!tpu.dma_semaphore, #tpu.memory_space<semaphore_mem>>) src(%arg4 : memref<16xi32, #tpu.memory_space<hbm>>) dst(%arg9 : memref<16xi32, #tpu.memory_space<vmem>>)
      tpu.yield
    }) : () -> ()
    %get3A = arith.constant 0 : index
    %get3A_1 = tpu.vector_load %arg9[%get3A] {strides = array<i32>} : memref<16xi32, #tpu.memory_space<vmem>>, vector<16xi32>,
    %get3A_2 = vector.shape_cast %get3A_1 : vector<16xi32> to vector<16xi32>
    %slice3A = vector.extract_strided_slice %get3A_2 {offsets = [0], sizes = [1], strides = [1]} : vector<16xi32> to vector<1xi32>
    %squeeze3A = vector.extract %slice3A[0] : i32 from vector<1xi32>
    %jit3A = arith.constant 0 : i32
    %jit3A_3 = arith.constant 61440 : i32
    %max3A = arith.maxsi %jit3A, %squeeze3A : i32
    %min3A = arith.minsi %jit3A_3, %max3A : i32
    %multiple_of3A = tpu.assume_multiple %min3A, 384 : i32
    %mul3A_4 = arith.constant 5 : i32
    %mul3A_5 = arith.muli %add3A, %mul3A_4 : i32
    %add3A_6 = arith.constant 0 : i32
    %add3A_7 = arith.addi %mul3A_5, %add3A_6 : i32
    %mul3A_8 = arith.constant 384 : i32
    %mul3A_9 = arith.muli %add3A_7, %mul3A_8 : i32
    %ge3A = arith.cmpi sge, %mul3A_9, %multiple_of3A : i32
    %add3A_10 = arith.constant 4096 : i32
    %add3A_11 = arith.addi %mul3A_9, %add3A_10 : i32
    %select_n3A = arith.select %ge3A, %add3A_11, %mul3A_9 : i32
    %multiple_of3A_12 = tpu.assume_multiple %select_n3A, 384 : i32
    %dma_start3A = arith.constant 0 : i32
    %dma_start3A_13 = arith.constant 0 : i32
    %dma_start3A_14 = arith.constant 0 : i32
    %dma_start3A_15 = arith.constant 0 : i32
    %dma_start3A_16 = tpu.memref_slice %arg7[%dma_start3A, %dma_start3A_14, %dma_start3A_15] : memref<2x128x384xf32, #tpu.memory_space<vmem>> -> memref<1x128x384xf32, #tpu.memory_space<vmem>>
    %dma_start3A_17 = tpu.memref_squeeze %dma_start3A_16 : memref<1x128x384xf32, #tpu.memory_space<vmem>> -> memref<128x384xf32, #tpu.memory_space<vmem>>
    %dma_start3A_18 = arith.constant 0 : i32
    %dma_start3A_19 = tpu.memref_slice %arg3[%dma_start3A_18, %multiple_of3A_12] : memref<128x65536xf32, #tpu.memory_space<hbm>> -> memref<128x384xf32, #tpu.memory_space<hbm>>
    %dma_start3A_20 = tpu.memref_slice %arg10[%dma_start3A_13] : memref<2x!tpu.dma_semaphore, #tpu.memory_space<semaphore_mem>> -> memref<1x!tpu.dma_semaphore, #tpu.memory_space<semaphore_mem>>
    %dma_start3A_21 = tpu.memref_squeeze %dma_start3A_20 : memref<1x!tpu.dma_semaphore, #tpu.memory_space<semaphore_mem>> -> memref<!tpu.dma_semaphore, #tpu.memory_space<semaphore_mem>>
    %dma_start3A_22 = arith.constant 0 : i32
    %dma_start3A_23 = arith.constant 0 : i32
    %dma_start3A_24 = tpu.memref_slice %arg7[%dma_start3A, %dma_start3A_22, %dma_start3A_23] : memref<2x128x384xf32, #tpu.memory_space<vmem>> -> memref<1x128x384xf32, #tpu.memory_space<vmem>>
    %dma_start3A_25 = tpu.memref_squeeze %dma_start3A_24 : memref<1x128x384xf32, #tpu.memory_space<vmem>> -> memref<128x384xf32, #tpu.memory_space<vmem>>
    %dma_start3A_26 = arith.constant 0 : i32
    %dma_start3A_27 = tpu.memref_slice %arg3[%dma_start3A_26, %multiple_of3A_12] : memref<128x65536xf32, #tpu.memory_space<hbm>> -> memref<128x384xf32, #tpu.memory_space<hbm>>
    tpu.enqueue_dma source(%dma_start3A_27 : memref<128x384xf32, #tpu.memory_space<hbm>>) target(%dma_start3A_25 : memref<128x384xf32, #tpu.memory_space<vmem>>) target_semaphore(%dma_start3A_21 : memref<!tpu.dma_semaphore, #tpu.memory_space<semaphore_mem>>)
    %mul3A_28 = arith.constant 128 : i32
    %mul3A_29 = arith.muli %add3A, %mul3A_28 : i32
    %dma_start3A_30 = arith.constant 0 : i32
    %dma_start3A_31 = tpu.memref_slice %arg2[%dma_start3A_30, %mul3A_29] : memref<128x4096xf32, #tpu.memory_space<hbm>> -> memref<128x128xf32, #tpu.memory_space<hbm>>
    %dma_start3A_32 = arith.constant 0 : i32
    %dma_start3A_33 = tpu.memref_slice %arg2[%dma_start3A_32, %mul3A_29] : memref<128x4096xf32, #tpu.memory_space<hbm>> -> memref<128x128xf32, #tpu.memory_space<hbm>>
    tpu.enqueue_dma source(%dma_start3A_33 : memref<128x128xf32, #tpu.memory_space<hbm>>) target(%arg8 : memref<128x128xf32, #tpu.memory_space<vmem>>) target_semaphore(%arg12 : memref<!tpu.dma_semaphore, #tpu.memory_space<semaphore_mem>>)
    %dma_wait3A = arith.constant 0 : i32
    %dma_wait3A_34 = arith.constant 0 : i32
    %dma_wait3A_35 = arith.constant 0 : i32
    %dma_wait3A_36 = arith.constant 0 : i32
    %dma_wait3A_37 = tpu.memref_slice %arg7[%dma_wait3A, %dma_wait3A_35, %dma_wait3A_36] : memref<2x128x384xf32, #tpu.memory_space<vmem>> -> memref<1x128x384xf32, #tpu.memory_space<vmem>>
    %dma_wait3A_38 = tpu.memref_squeeze %dma_wait3A_37 : memref<1x128x384xf32, #tpu.memory_space<vmem>> -> memref<128x384xf32, #tpu.memory_space<vmem>>
    %dma_wait3A_39 = arith.constant 0 : i32
    %dma_wait3A_40 = tpu.memref_slice %arg3[%dma_wait3A_39, %multiple_of3A_12] : memref<128x65536xf32, #tpu.memory_space<hbm>> -> memref<128x384xf32, #tpu.memory_space<hbm>>
    %dma_wait3A_41 = tpu.memref_slice %arg10[%dma_wait3A_34] : memref<2x!tpu.dma_semaphore, #tpu.memory_space<semaphore_mem>> -> memref<1x!tpu.dma_semaphore, #tpu.memory_space<semaphore_mem>>
    %dma_wait3A_42 = tpu.memref_squeeze %dma_wait3A_41 : memref<1x!tpu.dma_semaphore, #tpu.memory_space<semaphore_mem>> -> memref<!tpu.dma_semaphore, #tpu.memory_space<semaphore_mem>>
    %dma_wait3A_43 = arith.constant 0 : i32
    %dma_wait3A_44 = arith.constant 0 : i32
    %dma_wait3A_45 = tpu.memref_slice %arg7[%dma_wait3A, %dma_wait3A_43, %dma_wait3A_44] : memref<2x128x384xf32, #tpu.memory_space<vmem>> -> memref<1x128x384xf32, #tpu.memory_space<vmem>>
    %dma_wait3A_46 = tpu.memref_squeeze %dma_wait3A_45 : memref<1x128x384xf32, #tpu.memory_space<vmem>> -> memref<128x384xf32, #tpu.memory_space<vmem>>
    %dma_wait3A_47 = arith.constant 0 : i32
    %dma_wait3A_48 = tpu.memref_slice %arg3[%dma_wait3A_47, %multiple_of3A_12] : memref<128x65536xf32, #tpu.memory_space<hbm>> -> memref<128x384xf32, #tpu.memory_space<hbm>>
    tpu.wait_dma2 semaphore(%dma_wait3A_42 : memref<!tpu.dma_semaphore, #tpu.memory_space<semaphore_mem>>) src(%dma_wait3A_48 : memref<128x384xf32, #tpu.memory_space<hbm>>) dst(%dma_wait3A_46 : memref<128x384xf32, #tpu.memory_space<vmem>>)
    %mul3A_49 = arith.constant 5 : i32
    %mul3A_50 = arith.muli %add3A, %mul3A_49 : i32
    %add3A_51 = arith.constant 0 : i32
    %add3A_52 = arith.addi %mul3A_50, %add3A_51 : i32
    %mul3A_53 = arith.constant 384 : i32
    %mul3A_54 = arith.muli %add3A_52, %mul3A_53 : i32
    %ge3A_55 = arith.cmpi sge, %mul3A_54, %multiple_of3A : i32
    %add3A_56 = arith.constant 4096 : i32
    %add3A_57 = arith.addi %mul3A_54, %add3A_56 : i32
    %select_n3A_58 = arith.select %ge3A_55, %add3A_57, %mul3A_54 : i32
    %multiple_of3A_59 = tpu.assume_multiple %select_n3A_58, 384 : i32
    %dma_start3A_60 = arith.constant 0 : i32
    %dma_start3A_61 = arith.constant 0 : i32
    %dma_start3A_62 = arith.constant 0 : i32
    %dma_start3A_63 = arith.constant 0 : i32
    %dma_start3A_64 = tpu.memref_slice %arg7[%dma_start3A_60, %dma_start3A_62, %dma_start3A_63] : memref<2x128x384xf32, #tpu.memory_space<vmem>> -> memref<1x128x384xf32, #tpu.memory_space<vmem>>
    %dma_start3A_65 = tpu.memref_squeeze %dma_start3A_64 : memref<1x128x384xf32, #tpu.memory_space<vmem>> -> memref<128x384xf32, #tpu.memory_space<vmem>>
    %dma_start3A_66 = arith.constant 0 : i32
    %dma_start3A_67 = tpu.memref_slice %arg5[%dma_start3A_66, %multiple_of3A_59] : memref<128x65536xf32, #tpu.memory_space<hbm>> -> memref<128x384xf32, #tpu.memory_space<hbm>>
    %dma_start3A_68 = tpu.memref_slice %arg11[%dma_start3A_61] : memref<2x!tpu.dma_semaphore, #tpu.memory_space<semaphore_mem>> -> memref<1x!tpu.dma_semaphore, #tpu.memory_space<semaphore_mem>>
    %dma_start3A_69 = tpu.memref_squeeze %dma_start3A_68 : memref<1x!tpu.dma_semaphore, #tpu.memory_space<semaphore_mem>> -> memref<!tpu.dma_semaphore, #tpu.memory_space<semaphore_mem>>
    %dma_start3A_70 = arith.constant 0 : i32
    %dma_start3A_71 = tpu.memref_slice %arg5[%dma_start3A_70, %multiple_of3A_59] : memref<128x65536xf32, #tpu.memory_space<hbm>> -> memref<128x384xf32, #tpu.memory_space<hbm>>
    %dma_start3A_72 = arith.constant 0 : i32
    %dma_start3A_73 = arith.constant 0 : i32
    %dma_start3A_74 = tpu.memref_slice %arg7[%dma_start3A_60, %dma_start3A_72, %dma_start3A_73] : memref<2x128x384xf32, #tpu.memory_space<vmem>> -> memref<1x128x384xf32, #tpu.memory_space<vmem>>
    %dma_start3A_75 = tpu.memref_squeeze %dma_start3A_74 : memref<1x128x384xf32, #tpu.memory_space<vmem>> -> memref<128x384xf32, #tpu.memory_space<vmem>>
    tpu.enqueue_dma source(%dma_start3A_75 : memref<128x384xf32, #tpu.memory_space<vmem>>) target(%dma_start3A_71 : memref<128x384xf32, #tpu.memory_space<hbm>>) target_semaphore(%dma_start3A_69 : memref<!tpu.dma_semaphore, #tpu.memory_space<semaphore_mem>>)
    %mul3A_76 = arith.constant 5 : i32
    %mul3A_77 = arith.muli %add3A, %mul3A_76 : i32
    %add3A_78 = arith.constant 1 : i32
    %add3A_79 = arith.addi %mul3A_77, %add3A_78 : i32
    %mul3A_80 = arith.constant 384 : i32
    %mul3A_81 = arith.muli %add3A_79, %mul3A_80 : i32
    %ge3A_82 = arith.cmpi sge, %mul3A_81, %multiple_of3A : i32
    %add3A_83 = arith.constant 4096 : i32
    %add3A_84 = arith.addi %mul3A_81, %add3A_83 : i32
    %select_n3A_85 = arith.select %ge3A_82, %add3A_84, %mul3A_81 : i32
    %multiple_of3A_86 = tpu.assume_multiple %select_n3A_85, 384 : i32
    %dma_start3A_87 = arith.constant 1 : i32
    %dma_start3A_88 = arith.constant 1 : i32
    %dma_start3A_89 = arith.constant 0 : i32
    %dma_start3A_90 = arith.constant 0 : i32
    %dma_start3A_91 = tpu.memref_slice %arg7[%dma_start3A_87, %dma_start3A_89, %dma_start3A_90] : memref<2x128x384xf32, #tpu.memory_space<vmem>> -> memref<1x128x384xf32, #tpu.memory_space<vmem>>
    %dma_start3A_92 = tpu.memref_squeeze %dma_start3A_91 : memref<1x128x384xf32, #tpu.memory_space<vmem>> -> memref<128x384xf32, #tpu.memory_space<vmem>>
    %dma_start3A_93 = arith.constant 0 : i32
    %dma_start3A_94 = tpu.memref_slice %arg3[%dma_start3A_93, %multiple_of3A_86] : memref<128x65536xf32, #tpu.memory_space<hbm>> -> memref<128x384xf32, #tpu.memory_space<hbm>>
    %dma_start3A_95 = tpu.memref_slice %arg10[%dma_start3A_88] : memref<2x!tpu.dma_semaphore, #tpu.memory_space<semaphore_mem>> -> memref<1x!tpu.dma_semaphore, #tpu.memory_space<semaphore_mem>>
    %dma_start3A_96 = tpu.memref_squeeze %dma_start3A_95 : memref<1x!tpu.dma_semaphore, #tpu.memory_space<semaphore_mem>> -> memref<!tpu.dma_semaphore, #tpu.memory_space<semaphore_mem>>
    %dma_start3A_97 = arith.constant 0 : i32
    %dma_start3A_98 = arith.constant 0 : i32
    %dma_start3A_99 = tpu.memref_slice %arg7[%dma_start3A_87, %dma_start3A_97, %dma_start3A_98] : memref<2x128x384xf32, #tpu.memory_space<vmem>> -> memref<1x128x384xf32, #tpu.memory_space<vmem>>
    %dma_start3A_100 = tpu.memref_squeeze %dma_start3A_99 : memref<1x128x384xf32, #tpu.memory_space<vmem>> -> memref<128x384xf32, #tpu.memory_space<vmem>>
    %dma_start3A_101 = arith.constant 0 : i32
    %dma_start3A_102 = tpu.memref_slice %arg3[%dma_start3A_101, %multiple_of3A_86] : memref<128x65536xf32, #tpu.memory_space<hbm>> -> memref<128x384xf32, #tpu.memory_space<hbm>>
    tpu.enqueue_dma source(%dma_start3A_102 : memref<128x384xf32, #tpu.memory_space<hbm>>) target(%dma_start3A_100 : memref<128x384xf32, #tpu.memory_space<vmem>>) target_semaphore(%dma_start3A_96 : memref<!tpu.dma_semaphore, #tpu.memory_space<semaphore_mem>>)
    %dma_wait3A_103 = arith.constant 1 : i32
    %dma_wait3A_104 = arith.constant 1 : i32
    %dma_wait3A_105 = arith.constant 0 : i32
    %dma_wait3A_106 = arith.constant 0 : i32
    %dma_wait3A_107 = tpu.memref_slice %arg7[%dma_wait3A_103, %dma_wait3A_105, %dma_wait3A_106] : memref<2x128x384xf32, #tpu.memory_space<vmem>> -> memref<1x128x384xf32, #tpu.memory_space<vmem>>
    %dma_wait3A_108 = tpu.memref_squeeze %dma_wait3A_107 : memref<1x128x384xf32, #tpu.memory_space<vmem>> -> memref<128x384xf32, #tpu.memory_space<vmem>>
    %dma_wait3A_109 = arith.constant 0 : i32
    %dma_wait3A_110 = tpu.memref_slice %arg3[%dma_wait3A_109, %multiple_of3A_86] : memref<128x65536xf32, #tpu.memory_space<hbm>> -> memref<128x384xf32, #tpu.memory_space<hbm>>
    %dma_wait3A_111 = tpu.memref_slice %arg10[%dma_wait3A_104] : memref<2x!tpu.dma_semaphore, #tpu.memory_space<semaphore_mem>> -> memref<1x!tpu.dma_semaphore, #tpu.memory_space<semaphore_mem>>
    %dma_wait3A_112 = tpu.memref_squeeze %dma_wait3A_111 : memref<1x!tpu.dma_semaphore, #tpu.memory_space<semaphore_mem>> -> memref<!tpu.dma_semaphore, #tpu.memory_space<semaphore_mem>>
    %dma_wait3A_113 = arith.constant 0 : i32
    %dma_wait3A_114 = arith.constant 0 : i32
    %dma_wait3A_115 = tpu.memref_slice %arg7[%dma_wait3A_103, %dma_wait3A_113, %dma_wait3A_114] : memref<2x128x384xf32, #tpu.memory_space<vmem>> -> memref<1x128x384xf32, #tpu.memory_space<vmem>>
    %dma_wait3A_116 = tpu.memref_squeeze %dma_wait3A_115 : memref<1x128x384xf32, #tpu.memory_space<vmem>> -> memref<128x384xf32, #tpu.memory_space<vmem>>
    %dma_wait3A_117 = arith.constant 0 : i32
    %dma_wait3A_118 = tpu.memref_slice %arg3[%dma_wait3A_117, %multiple_of3A_86] : memref<128x65536xf32, #tpu.memory_space<hbm>> -> memref<128x384xf32, #tpu.memory_space<hbm>>
    tpu.wait_dma2 semaphore(%dma_wait3A_112 : memref<!tpu.dma_semaphore, #tpu.memory_space<semaphore_mem>>) src(%dma_wait3A_118 : memref<128x384xf32, #tpu.memory_space<hbm>>) dst(%dma_wait3A_116 : memref<128x384xf32, #tpu.memory_space<vmem>>)
    %mul3A_119 = arith.constant 5 : i32
    %mul3A_120 = arith.muli %add3A, %mul3A_119 : i32
    %add3A_121 = arith.constant 1 : i32
    %add3A_122 = arith.addi %mul3A_120, %add3A_121 : i32
    %mul3A_123 = arith.constant 384 : i32
    %mul3A_124 = arith.muli %add3A_122, %mul3A_123 : i32
    %ge3A_125 = arith.cmpi sge, %mul3A_124, %multiple_of3A : i32
    %add3A_126 = arith.constant 4096 : i32
    %add3A_127 = arith.addi %mul3A_124, %add3A_126 : i32
    %select_n3A_128 = arith.select %ge3A_125, %add3A_127, %mul3A_124 : i32
    %multiple_of3A_129 = tpu.assume_multiple %select_n3A_128, 384 : i32
    %dma_start3A_130 = arith.constant 1 : i32
    %dma_start3A_131 = arith.constant 1 : i32
    %dma_start3A_132 = arith.constant 0 : i32
    %dma_start3A_133 = arith.constant 0 : i32
    %dma_start3A_134 = tpu.memref_slice %arg7[%dma_start3A_130, %dma_start3A_132, %dma_start3A_133] : memref<2x128x384xf32, #tpu.memory_space<vmem>> -> memref<1x128x384xf32, #tpu.memory_space<vmem>>
    %dma_start3A_135 = tpu.memref_squeeze %dma_start3A_134 : memref<1x128x384xf32, #tpu.memory_space<vmem>> -> memref<128x384xf32, #tpu.memory_space<vmem>>
    %dma_start3A_136 = arith.constant 0 : i32
    %dma_start3A_137 = tpu.memref_slice %arg5[%dma_start3A_136, %multiple_of3A_129] : memref<128x65536xf32, #tpu.memory_space<hbm>> -> memref<128x384xf32, #tpu.memory_space<hbm>>
    %dma_start3A_138 = tpu.memref_slice %arg11[%dma_start3A_131] : memref<2x!tpu.dma_semaphore, #tpu.memory_space<semaphore_mem>> -> memref<1x!tpu.dma_semaphore, #tpu.memory_space<semaphore_mem>>
    %dma_start3A_139 = tpu.memref_squeeze %dma_start3A_138 : memref<1x!tpu.dma_semaphore, #tpu.memory_space<semaphore_mem>> -> memref<!tpu.dma_semaphore, #tpu.memory_space<semaphore_mem>>
    %dma_start3A_140 = arith.constant 0 : i32
    %dma_start3A_141 = tpu.memref_slice %arg5[%dma_start3A_140, %multiple_of3A_129] : memref<128x65536xf32, #tpu.memory_space<hbm>> -> memref<128x384xf32, #tpu.memory_space<hbm>>
    %dma_start3A_142 = arith.constant 0 : i32
    %dma_start3A_143 = arith.constant 0 : i32
    %dma_start3A_144 = tpu.memref_slice %arg7[%dma_start3A_130, %dma_start3A_142, %dma_start3A_143] : memref<2x128x384xf32, #tpu.memory_space<vmem>> -> memref<1x128x384xf32, #tpu.memory_space<vmem>>
    %dma_start3A_145 = tpu.memref_squeeze %dma_start3A_144 : memref<1x128x384xf32, #tpu.memory_space<vmem>> -> memref<128x384xf32, #tpu.memory_space<vmem>>
    tpu.enqueue_dma source(%dma_start3A_145 : memref<128x384xf32, #tpu.memory_space<vmem>>) target(%dma_start3A_141 : memref<128x384xf32, #tpu.memory_space<hbm>>) target_semaphore(%dma_start3A_139 : memref<!tpu.dma_semaphore, #tpu.memory_space<semaphore_mem>>)
    %dma_wait3A_146 = arith.constant 0 : i32
    %dma_wait3A_147 = arith.constant 0 : i32
    %dma_wait3A_148 = arith.constant 0 : i32
    %dma_wait3A_149 = arith.constant 0 : i32
    %dma_wait3A_150 = tpu.memref_slice %arg7[%dma_wait3A_146, %dma_wait3A_148, %dma_wait3A_149] : memref<2x128x384xf32, #tpu.memory_space<vmem>> -> memref<1x128x384xf32, #tpu.memory_space<vmem>>
    %dma_wait3A_151 = tpu.memref_squeeze %dma_wait3A_150 : memref<1x128x384xf32, #tpu.memory_space<vmem>> -> memref<128x384xf32, #tpu.memory_space<vmem>>
    %dma_wait3A_152 = arith.constant 0 : i32
    %dma_wait3A_153 = tpu.memref_slice %arg5[%dma_wait3A_152, %multiple_of3A_59] : memref<128x65536xf32, #tpu.memory_space<hbm>> -> memref<128x384xf32, #tpu.memory_space<hbm>>
    %dma_wait3A_154 = tpu.memref_slice %arg11[%dma_wait3A_147] : memref<2x!tpu.dma_semaphore, #tpu.memory_space<semaphore_mem>> -> memref<1x!tpu.dma_semaphore, #tpu.memory_space<semaphore_mem>>
    %dma_wait3A_155 = tpu.memref_squeeze %dma_wait3A_154 : memref<1x!tpu.dma_semaphore, #tpu.memory_space<semaphore_mem>> -> memref<!tpu.dma_semaphore, #tpu.memory_space<semaphore_mem>>
    %dma_wait3A_156 = arith.constant 0 : i32
    %dma_wait3A_157 = tpu.memref_slice %arg5[%dma_wait3A_156, %multiple_of3A_59] : memref<128x65536xf32, #tpu.memory_space<hbm>> -> memref<128x384xf32, #tpu.memory_space<hbm>>
    %dma_wait3A_158 = arith.constant 0 : i32
    %dma_wait3A_159 = arith.constant 0 : i32
    %dma_wait3A_160 = tpu.memref_slice %arg7[%dma_wait3A_146, %dma_wait3A_158, %dma_wait3A_159] : memref<2x128x384xf32, #tpu.memory_space<vmem>> -> memref<1x128x384xf32, #tpu.memory_space<vmem>>
    %dma_wait3A_161 = tpu.memref_squeeze %dma_wait3A_160 : memref<1x128x384xf32, #tpu.memory_space<vmem>> -> memref<128x384xf32, #tpu.memory_space<vmem>>
    tpu.wait_dma2 semaphore(%dma_wait3A_155 : memref<!tpu.dma_semaphore, #tpu.memory_space<semaphore_mem>>) src(%dma_wait3A_161 : memref<128x384xf32, #tpu.memory_space<vmem>>) dst(%dma_wait3A_157 : memref<128x384xf32, #tpu.memory_space<hbm>>)
    %mul3A_162 = arith.constant 5 : i32
    %mul3A_163 = arith.muli %add3A, %mul3A_162 : i32
    %add3A_164 = arith.constant 2 : i32
    %add3A_165 = arith.addi %mul3A_163, %add3A_164 : i32
    %mul3A_166 = arith.constant 384 : i32
    %mul3A_167 = arith.muli %add3A_165, %mul3A_166 : i32
    %ge3A_168 = arith.cmpi sge, %mul3A_167, %multiple_of3A : i32
    %add3A_169 = arith.constant 4096 : i32
    %add3A_170 = arith.addi %mul3A_167, %add3A_169 : i32
    %select_n3A_171 = arith.select %ge3A_168, %add3A_170, %mul3A_167 : i32
    %multiple_of3A_172 = tpu.assume_multiple %select_n3A_171, 384 : i32
    %dma_start3A_173 = arith.constant 0 : i32
    %dma_start3A_174 = arith.constant 0 : i32
    %dma_start3A_175 = arith.constant 0 : i32
    %dma_start3A_176 = arith.constant 0 : i32
    %dma_start3A_177 = tpu.memref_slice %arg7[%dma_start3A_173, %dma_start3A_175, %dma_start3A_176] : memref<2x128x384xf32, #tpu.memory_space<vmem>> -> memref<1x128x384xf32, #tpu.memory_space<vmem>>
    %dma_start3A_178 = tpu.memref_squeeze %dma_start3A_177 : memref<1x128x384xf32, #tpu.memory_space<vmem>> -> memref<128x384xf32, #tpu.memory_space<vmem>>
    %dma_start3A_179 = arith.constant 0 : i32
    %dma_start3A_180 = tpu.memref_slice %arg3[%dma_start3A_179, %multiple_of3A_172] : memref<128x65536xf32, #tpu.memory_space<hbm>> -> memref<128x384xf32, #tpu.memory_space<hbm>>
    %dma_start3A_181 = tpu.memref_slice %arg10[%dma_start3A_174] : memref<2x!tpu.dma_semaphore, #tpu.memory_space<semaphore_mem>> -> memref<1x!tpu.dma_semaphore, #tpu.memory_space<semaphore_mem>>
    %dma_start3A_182 = tpu.memref_squeeze %dma_start3A_181 : memref<1x!tpu.dma_semaphore, #tpu.memory_space<semaphore_mem>> -> memref<!tpu.dma_semaphore, #tpu.memory_space<semaphore_mem>>
    %dma_start3A_183 = arith.constant 0 : i32
    %dma_start3A_184 = arith.constant 0 : i32
    %dma_start3A_185 = tpu.memref_slice %arg7[%dma_start3A_173, %dma_start3A_183, %dma_start3A_184] : memref<2x128x384xf32, #tpu.memory_space<vmem>> -> memref<1x128x384xf32, #tpu.memory_space<vmem>>
    %dma_start3A_186 = tpu.memref_squeeze %dma_start3A_185 : memref<1x128x384xf32, #tpu.memory_space<vmem>> -> memref<128x384xf32, #tpu.memory_space<vmem>>
    %dma_start3A_187 = arith.constant 0 : i32
    %dma_start3A_188 = tpu.memref_slice %arg3[%dma_start3A_187, %multiple_of3A_172] : memref<128x65536xf32, #tpu.memory_space<hbm>> -> memref<128x384xf32, #tpu.memory_space<hbm>>
    tpu.enqueue_dma source(%dma_start3A_188 : memref<128x384xf32, #tpu.memory_space<hbm>>) target(%dma_start3A_186 : memref<128x384xf32, #tpu.memory_space<vmem>>) target_semaphore(%dma_start3A_182 : memref<!tpu.dma_semaphore, #tpu.memory_space<semaphore_mem>>)
    %dma_wait3A_189 = arith.constant 0 : i32
    %dma_wait3A_190 = arith.constant 0 : i32
    %dma_wait3A_191 = arith.constant 0 : i32
    %dma_wait3A_192 = arith.constant 0 : i32
    %dma_wait3A_193 = tpu.memref_slice %arg7[%dma_wait3A_189, %dma_wait3A_191, %dma_wait3A_192] : memref<2x128x384xf32, #tpu.memory_space<vmem>> -> memref<1x128x384xf32, #tpu.memory_space<vmem>>
    %dma_wait3A_194 = tpu.memref_squeeze %dma_wait3A_193 : memref<1x128x384xf32, #tpu.memory_space<vmem>> -> memref<128x384xf32, #tpu.memory_space<vmem>>
    %dma_wait3A_195 = arith.constant 0 : i32
    %dma_wait3A_196 = tpu.memref_slice %arg3[%dma_wait3A_195, %multiple_of3A_172] : memref<128x65536xf32, #tpu.memory_space<hbm>> -> memref<128x384xf32, #tpu.memory_space<hbm>>
    %dma_wait3A_197 = tpu.memref_slice %arg10[%dma_wait3A_190] : memref<2x!tpu.dma_semaphore, #tpu.memory_space<semaphore_mem>> -> memref<1x!tpu.dma_semaphore, #tpu.memory_space<semaphore_mem>>
    %dma_wait3A_198 = tpu.memref_squeeze %dma_wait3A_197 : memref<1x!tpu.dma_semaphore, #tpu.memory_space<semaphore_mem>> -> memref<!tpu.dma_semaphore, #tpu.memory_space<semaphore_mem>>
    %dma_wait3A_199 = arith.constant 0 : i32
    %dma_wait3A_200 = arith.constant 0 : i32
    %dma_wait3A_201 = tpu.memref_slice %arg7[%dma_wait3A_189, %dma_wait3A_199, %dma_wait3A_200] : memref<2x128x384xf32, #tpu.memory_space<vmem>> -> memref<1x128x384xf32, #tpu.memory_space<vmem>>
    %dma_wait3A_202 = tpu.memref_squeeze %dma_wait3A_201 : memref<1x128x384xf32, #tpu.memory_space<vmem>> -> memref<128x384xf32, #tpu.memory_space<vmem>>
    %dma_wait3A_203 = arith.constant 0 : i32
    %dma_wait3A_204 = tpu.memref_slice %arg3[%dma_wait3A_203, %multiple_of3A_172] : memref<128x65536xf32, #tpu.memory_space<hbm>> -> memref<128x384xf32, #tpu.memory_space<hbm>>
    tpu.wait_dma2 semaphore(%dma_wait3A_198 : memref<!tpu.dma_semaphore, #tpu.memory_space<semaphore_mem>>) src(%dma_wait3A_204 : memref<128x384xf32, #tpu.memory_space<hbm>>) dst(%dma_wait3A_202 : memref<128x384xf32, #tpu.memory_space<vmem>>)
    %mul3A_205 = arith.constant 5 : i32
    %mul3A_206 = arith.muli %add3A, %mul3A_205 : i32
    %add3A_207 = arith.constant 2 : i32
    %add3A_208 = arith.addi %mul3A_206, %add3A_207 : i32
    %mul3A_209 = arith.constant 384 : i32
    %mul3A_210 = arith.muli %add3A_208, %mul3A_209 : i32
    %ge3A_211 = arith.cmpi sge, %mul3A_210, %multiple_of3A : i32
    %add3A_212 = arith.constant 4096 : i32
    %add3A_213 = arith.addi %mul3A_210, %add3A_212 : i32
    %select_n3A_214 = arith.select %ge3A_211, %add3A_213, %mul3A_210 : i32
    %multiple_of3A_215 = tpu.assume_multiple %select_n3A_214, 384 : i32
    %dma_start3A_216 = arith.constant 0 : i32
    %dma_start3A_217 = arith.constant 0 : i32
    %dma_start3A_218 = arith.constant 0 : i32
    %dma_start3A_219 = arith.constant 0 : i32
    %dma_start3A_220 = tpu.memref_slice %arg7[%dma_start3A_216, %dma_start3A_218, %dma_start3A_219] : memref<2x128x384xf32, #tpu.memory_space<vmem>> -> memref<1x128x384xf32, #tpu.memory_space<vmem>>
    %dma_start3A_221 = tpu.memref_squeeze %dma_start3A_220 : memref<1x128x384xf32, #tpu.memory_space<vmem>> -> memref<128x384xf32, #tpu.memory_space<vmem>>
    %dma_start3A_222 = arith.constant 0 : i32
    %dma_start3A_223 = tpu.memref_slice %arg5[%dma_start3A_222, %multiple_of3A_215] : memref<128x65536xf32, #tpu.memory_space<hbm>> -> memref<128x384xf32, #tpu.memory_space<hbm>>
    %dma_start3A_224 = tpu.memref_slice %arg11[%dma_start3A_217] : memref<2x!tpu.dma_semaphore, #tpu.memory_space<semaphore_mem>> -> memref<1x!tpu.dma_semaphore, #tpu.memory_space<semaphore_mem>>
    %dma_start3A_225 = tpu.memref_squeeze %dma_start3A_224 : memref<1x!tpu.dma_semaphore, #tpu.memory_space<semaphore_mem>> -> memref<!tpu.dma_semaphore, #tpu.memory_space<semaphore_mem>>
    %dma_start3A_226 = arith.constant 0 : i32
    %dma_start3A_227 = tpu.memref_slice %arg5[%dma_start3A_226, %multiple_of3A_215] : memref<128x65536xf32, #tpu.memory_space<hbm>> -> memref<128x384xf32, #tpu.memory_space<hbm>>
    %dma_start3A_228 = arith.constant 0 : i32
    %dma_start3A_229 = arith.constant 0 : i32
    %dma_start3A_230 = tpu.memref_slice %arg7[%dma_start3A_216, %dma_start3A_228, %dma_start3A_229] : memref<2x128x384xf32, #tpu.memory_space<vmem>> -> memref<1x128x384xf32, #tpu.memory_space<vmem>>
    %dma_start3A_231 = tpu.memref_squeeze %dma_start3A_230 : memref<1x128x384xf32, #tpu.memory_space<vmem>> -> memref<128x384xf32, #tpu.memory_space<vmem>>
    tpu.enqueue_dma source(%dma_start3A_231 : memref<128x384xf32, #tpu.memory_space<vmem>>) target(%dma_start3A_227 : memref<128x384xf32, #tpu.memory_space<hbm>>) target_semaphore(%dma_start3A_225 : memref<!tpu.dma_semaphore, #tpu.memory_space<semaphore_mem>>)
    %dma_wait3A_232 = arith.constant 1 : i32
    %dma_wait3A_233 = arith.constant 1 : i32
    %dma_wait3A_234 = arith.constant 0 : i32
    %dma_wait3A_235 = arith.constant 0 : i32
    %dma_wait3A_236 = tpu.memref_slice %arg7[%dma_wait3A_232, %dma_wait3A_234, %dma_wait3A_235] : memref<2x128x384xf32, #tpu.memory_space<vmem>> -> memref<1x128x384xf32, #tpu.memory_space<vmem>>
    %dma_wait3A_237 = tpu.memref_squeeze %dma_wait3A_236 : memref<1x128x384xf32, #tpu.memory_space<vmem>> -> memref<128x384xf32, #tpu.memory_space<vmem>>
    %dma_wait3A_238 = arith.constant 0 : i32
    %dma_wait3A_239 = tpu.memref_slice %arg5[%dma_wait3A_238, %multiple_of3A_129] : memref<128x65536xf32, #tpu.memory_space<hbm>> -> memref<128x384xf32, #tpu.memory_space<hbm>>
    %dma_wait3A_240 = tpu.memref_slice %arg11[%dma_wait3A_233] : memref<2x!tpu.dma_semaphore, #tpu.memory_space<semaphore_mem>> -> memref<1x!tpu.dma_semaphore, #tpu.memory_space<semaphore_mem>>
    %dma_wait3A_241 = tpu.memref_squeeze %dma_wait3A_240 : memref<1x!tpu.dma_semaphore, #tpu.memory_space<semaphore_mem>> -> memref<!tpu.dma_semaphore, #tpu.memory_space<semaphore_mem>>
    %dma_wait3A_242 = arith.constant 0 : i32
    %dma_wait3A_243 = tpu.memref_slice %arg5[%dma_wait3A_242, %multiple_of3A_129] : memref<128x65536xf32, #tpu.memory_space<hbm>> -> memref<128x384xf32, #tpu.memory_space<hbm>>
    %dma_wait3A_244 = arith.constant 0 : i32
    %dma_wait3A_245 = arith.constant 0 : i32
    %dma_wait3A_246 = tpu.memref_slice %arg7[%dma_wait3A_232, %dma_wait3A_244, %dma_wait3A_245] : memref<2x128x384xf32, #tpu.memory_space<vmem>> -> memref<1x128x384xf32, #tpu.memory_space<vmem>>
    %dma_wait3A_247 = tpu.memref_squeeze %dma_wait3A_246 : memref<1x128x384xf32, #tpu.memory_space<vmem>> -> memref<128x384xf32, #tpu.memory_space<vmem>>
    tpu.wait_dma2 semaphore(%dma_wait3A_241 : memref<!tpu.dma_semaphore, #tpu.memory_space<semaphore_mem>>) src(%dma_wait3A_247 : memref<128x384xf32, #tpu.memory_space<vmem>>) dst(%dma_wait3A_243 : memref<128x384xf32, #tpu.memory_space<hbm>>)
    %mul3A_248 = arith.constant 5 : i32
    %mul3A_249 = arith.muli %add3A, %mul3A_248 : i32
    %add3A_250 = arith.constant 3 : i32
    %add3A_251 = arith.addi %mul3A_249, %add3A_250 : i32
    %mul3A_252 = arith.constant 384 : i32
    %mul3A_253 = arith.muli %add3A_251, %mul3A_252 : i32
    %ge3A_254 = arith.cmpi sge, %mul3A_253, %multiple_of3A : i32
    %add3A_255 = arith.constant 4096 : i32
    %add3A_256 = arith.addi %mul3A_253, %add3A_255 : i32
    %select_n3A_257 = arith.select %ge3A_254, %add3A_256, %mul3A_253 : i32
    %multiple_of3A_258 = tpu.assume_multiple %select_n3A_257, 384 : i32
    %dma_start3A_259 = arith.constant 1 : i32
    %dma_start3A_260 = arith.constant 1 : i32
    %dma_start3A_261 = arith.constant 0 : i32
    %dma_start3A_262 = arith.constant 0 : i32
    %dma_start3A_263 = tpu.memref_slice %arg7[%dma_start3A_259, %dma_start3A_261, %dma_start3A_262] : memref<2x128x384xf32, #tpu.memory_space<vmem>> -> memref<1x128x384xf32, #tpu.memory_space<vmem>>
    %dma_start3A_264 = tpu.memref_squeeze %dma_start3A_263 : memref<1x128x384xf32, #tpu.memory_space<vmem>> -> memref<128x384xf32, #tpu.memory_space<vmem>>
    %dma_start3A_265 = arith.constant 0 : i32
    %dma_start3A_266 = tpu.memref_slice %arg3[%dma_start3A_265, %multiple_of3A_258] : memref<128x65536xf32, #tpu.memory_space<hbm>> -> memref<128x384xf32, #tpu.memory_space<hbm>>
    %dma_start3A_267 = tpu.memref_slice %arg10[%dma_start3A_260] : memref<2x!tpu.dma_semaphore, #tpu.memory_space<semaphore_mem>> -> memref<1x!tpu.dma_semaphore, #tpu.memory_space<semaphore_mem>>
    %dma_start3A_268 = tpu.memref_squeeze %dma_start3A_267 : memref<1x!tpu.dma_semaphore, #tpu.memory_space<semaphore_mem>> -> memref<!tpu.dma_semaphore, #tpu.memory_space<semaphore_mem>>
    %dma_start3A_269 = arith.constant 0 : i32
    %dma_start3A_270 = arith.constant 0 : i32
    %dma_start3A_271 = tpu.memref_slice %arg7[%dma_start3A_259, %dma_start3A_269, %dma_start3A_270] : memref<2x128x384xf32, #tpu.memory_space<vmem>> -> memref<1x128x384xf32, #tpu.memory_space<vmem>>
    %dma_start3A_272 = tpu.memref_squeeze %dma_start3A_271 : memref<1x128x384xf32, #tpu.memory_space<vmem>> -> memref<128x384xf32, #tpu.memory_space<vmem>>
    %dma_start3A_273 = arith.constant 0 : i32
    %dma_start3A_274 = tpu.memref_slice %arg3[%dma_start3A_273, %multiple_of3A_258] : memref<128x65536xf32, #tpu.memory_space<hbm>> -> memref<128x384xf32, #tpu.memory_space<hbm>>
    tpu.enqueue_dma source(%dma_start3A_274 : memref<128x384xf32, #tpu.memory_space<hbm>>) target(%dma_start3A_272 : memref<128x384xf32, #tpu.memory_space<vmem>>) target_semaphore(%dma_start3A_268 : memref<!tpu.dma_semaphore, #tpu.memory_space<semaphore_mem>>)
    %dma_wait3A_275 = arith.constant 1 : i32
    %dma_wait3A_276 = arith.constant 1 : i32
    %dma_wait3A_277 = arith.constant 0 : i32
    %dma_wait3A_278 = arith.constant 0 : i32
    %dma_wait3A_279 = tpu.memref_slice %arg7[%dma_wait3A_275, %dma_wait3A_277, %dma_wait3A_278] : memref<2x128x384xf32, #tpu.memory_space<vmem>> -> memref<1x128x384xf32, #tpu.memory_space<vmem>>
    %dma_wait3A_280 = tpu.memref_squeeze %dma_wait3A_279 : memref<1x128x384xf32, #tpu.memory_space<vmem>> -> memref<128x384xf32, #tpu.memory_space<vmem>>
    %dma_wait3A_281 = arith.constant 0 : i32
    %dma_wait3A_282 = tpu.memref_slice %arg3[%dma_wait3A_281, %multiple_of3A_258] : memref<128x65536xf32, #tpu.memory_space<hbm>> -> memref<128x384xf32, #tpu.memory_space<hbm>>
    %dma_wait3A_283 = tpu.memref_slice %arg10[%dma_wait3A_276] : memref<2x!tpu.dma_semaphore, #tpu.memory_space<semaphore_mem>> -> memref<1x!tpu.dma_semaphore, #tpu.memory_space<semaphore_mem>>
    %dma_wait3A_284 = tpu.memref_squeeze %dma_wait3A_283 : memref<1x!tpu.dma_semaphore, #tpu.memory_space<semaphore_mem>> -> memref<!tpu.dma_semaphore, #tpu.memory_space<semaphore_mem>>
    %dma_wait3A_285 = arith.constant 0 : i32
    %dma_wait3A_286 = arith.constant 0 : i32
    %dma_wait3A_287 = tpu.memref_slice %arg7[%dma_wait3A_275, %dma_wait3A_285, %dma_wait3A_286] : memref<2x128x384xf32, #tpu.memory_space<vmem>> -> memref<1x128x384xf32, #tpu.memory_space<vmem>>
    %dma_wait3A_288 = tpu.memref_squeeze %dma_wait3A_287 : memref<1x128x384xf32, #tpu.memory_space<vmem>> -> memref<128x384xf32, #tpu.memory_space<vmem>>
    %dma_wait3A_289 = arith.constant 0 : i32
    %dma_wait3A_290 = tpu.memref_slice %arg3[%dma_wait3A_289, %multiple_of3A_258] : memref<128x65536xf32, #tpu.memory_space<hbm>> -> memref<128x384xf32, #tpu.memory_space<hbm>>
    tpu.wait_dma2 semaphore(%dma_wait3A_284 : memref<!tpu.dma_semaphore, #tpu.memory_space<semaphore_mem>>) src(%dma_wait3A_290 : memref<128x384xf32, #tpu.memory_space<hbm>>) dst(%dma_wait3A_288 : memref<128x384xf32, #tpu.memory_space<vmem>>)
    %mul3A_291 = arith.constant 5 : i32
    %mul3A_292 = arith.muli %add3A, %mul3A_291 : i32
    %add3A_293 = arith.constant 3 : i32
    %add3A_294 = arith.addi %mul3A_292, %add3A_293 : i32
    %mul3A_295 = arith.constant 384 : i32
    %mul3A_296 = arith.muli %add3A_294, %mul3A_295 : i32
    %ge3A_297 = arith.cmpi sge, %mul3A_296, %multiple_of3A : i32
    %add3A_298 = arith.constant 4096 : i32
    %add3A_299 = arith.addi %mul3A_296, %add3A_298 : i32
    %select_n3A_300 = arith.select %ge3A_297, %add3A_299, %mul3A_296 : i32
    %multiple_of3A_301 = tpu.assume_multiple %select_n3A_300, 384 : i32
    %dma_start3A_302 = arith.constant 1 : i32
    %dma_start3A_303 = arith.constant 1 : i32
    %dma_start3A_304 = arith.constant 0 : i32
    %dma_start3A_305 = arith.constant 0 : i32
    %dma_start3A_306 = tpu.memref_slice %arg7[%dma_start3A_302, %dma_start3A_304, %dma_start3A_305] : memref<2x128x384xf32, #tpu.memory_space<vmem>> -> memref<1x128x384xf32, #tpu.memory_space<vmem>>
    %dma_start3A_307 = tpu.memref_squeeze %dma_start3A_306 : memref<1x128x384xf32, #tpu.memory_space<vmem>> -> memref<128x384xf32, #tpu.memory_space<vmem>>
    %dma_start3A_308 = arith.constant 0 : i32
    %dma_start3A_309 = tpu.memref_slice %arg5[%dma_start3A_308, %multiple_of3A_301] : memref<128x65536xf32, #tpu.memory_space<hbm>> -> memref<128x384xf32, #tpu.memory_space<hbm>>
    %dma_start3A_310 = tpu.memref_slice %arg11[%dma_start3A_303] : memref<2x!tpu.dma_semaphore, #tpu.memory_space<semaphore_mem>> -> memref<1x!tpu.dma_semaphore, #tpu.memory_space<semaphore_mem>>
    %dma_start3A_311 = tpu.memref_squeeze %dma_start3A_310 : memref<1x!tpu.dma_semaphore, #tpu.memory_space<semaphore_mem>> -> memref<!tpu.dma_semaphore, #tpu.memory_space<semaphore_mem>>
    %dma_start3A_312 = arith.constant 0 : i32
    %dma_start3A_313 = tpu.memref_slice %arg5[%dma_start3A_312, %multiple_of3A_301] : memref<128x65536xf32, #tpu.memory_space<hbm>> -> memref<128x384xf32, #tpu.memory_space<hbm>>
    %dma_start3A_314 = arith.constant 0 : i32
    %dma_start3A_315 = arith.constant 0 : i32
    %dma_start3A_316 = tpu.memref_slice %arg7[%dma_start3A_302, %dma_start3A_314, %dma_start3A_315] : memref<2x128x384xf32, #tpu.memory_space<vmem>> -> memref<1x128x384xf32, #tpu.memory_space<vmem>>
    %dma_start3A_317 = tpu.memref_squeeze %dma_start3A_316 : memref<1x128x384xf32, #tpu.memory_space<vmem>> -> memref<128x384xf32, #tpu.memory_space<vmem>>
    tpu.enqueue_dma source(%dma_start3A_317 : memref<128x384xf32, #tpu.memory_space<vmem>>) target(%dma_start3A_313 : memref<128x384xf32, #tpu.memory_space<hbm>>) target_semaphore(%dma_start3A_311 : memref<!tpu.dma_semaphore, #tpu.memory_space<semaphore_mem>>)
    %dma_wait3A_318 = arith.constant 0 : i32
    %dma_wait3A_319 = arith.constant 0 : i32
    %dma_wait3A_320 = arith.constant 0 : i32
    %dma_wait3A_321 = arith.constant 0 : i32
    %dma_wait3A_322 = tpu.memref_slice %arg7[%dma_wait3A_318, %dma_wait3A_320, %dma_wait3A_321] : memref<2x128x384xf32, #tpu.memory_space<vmem>> -> memref<1x128x384xf32, #tpu.memory_space<vmem>>
    %dma_wait3A_323 = tpu.memref_squeeze %dma_wait3A_322 : memref<1x128x384xf32, #tpu.memory_space<vmem>> -> memref<128x384xf32, #tpu.memory_space<vmem>>
    %dma_wait3A_324 = arith.constant 0 : i32
    %dma_wait3A_325 = tpu.memref_slice %arg5[%dma_wait3A_324, %multiple_of3A_215] : memref<128x65536xf32, #tpu.memory_space<hbm>> -> memref<128x384xf32, #tpu.memory_space<hbm>>
    %dma_wait3A_326 = tpu.memref_slice %arg11[%dma_wait3A_319] : memref<2x!tpu.dma_semaphore, #tpu.memory_space<semaphore_mem>> -> memref<1x!tpu.dma_semaphore, #tpu.memory_space<semaphore_mem>>
    %dma_wait3A_327 = tpu.memref_squeeze %dma_wait3A_326 : memref<1x!tpu.dma_semaphore, #tpu.memory_space<semaphore_mem>> -> memref<!tpu.dma_semaphore, #tpu.memory_space<semaphore_mem>>
    %dma_wait3A_328 = arith.constant 0 : i32
    %dma_wait3A_329 = tpu.memref_slice %arg5[%dma_wait3A_328, %multiple_of3A_215] : memref<128x65536xf32, #tpu.memory_space<hbm>> -> memref<128x384xf32, #tpu.memory_space<hbm>>
    %dma_wait3A_330 = arith.constant 0 : i32
    %dma_wait3A_331 = arith.constant 0 : i32
    %dma_wait3A_332 = tpu.memref_slice %arg7[%dma_wait3A_318, %dma_wait3A_330, %dma_wait3A_331] : memref<2x128x384xf32, #tpu.memory_space<vmem>> -> memref<1x128x384xf32, #tpu.memory_space<vmem>>
    %dma_wait3A_333 = tpu.memref_squeeze %dma_wait3A_332 : memref<1x128x384xf32, #tpu.memory_space<vmem>> -> memref<128x384xf32, #tpu.memory_space<vmem>>
    tpu.wait_dma2 semaphore(%dma_wait3A_327 : memref<!tpu.dma_semaphore, #tpu.memory_space<semaphore_mem>>) src(%dma_wait3A_333 : memref<128x384xf32, #tpu.memory_space<vmem>>) dst(%dma_wait3A_329 : memref<128x384xf32, #tpu.memory_space<hbm>>)
    %mul3A_334 = arith.constant 5 : i32
    %mul3A_335 = arith.muli %add3A, %mul3A_334 : i32
    %add3A_336 = arith.constant 4 : i32
    %add3A_337 = arith.addi %mul3A_335, %add3A_336 : i32
    %mul3A_338 = arith.constant 384 : i32
    %mul3A_339 = arith.muli %add3A_337, %mul3A_338 : i32
    %ge3A_340 = arith.cmpi sge, %mul3A_339, %multiple_of3A : i32
    %add3A_341 = arith.constant 4096 : i32
    %add3A_342 = arith.addi %mul3A_339, %add3A_341 : i32
    %select_n3A_343 = arith.select %ge3A_340, %add3A_342, %mul3A_339 : i32
    %multiple_of3A_344 = tpu.assume_multiple %select_n3A_343, 384 : i32
    %dma_start3A_345 = arith.constant 0 : i32
    %dma_start3A_346 = arith.constant 0 : i32
    %dma_start3A_347 = arith.constant 0 : i32
    %dma_start3A_348 = arith.constant 0 : i32
    %dma_start3A_349 = tpu.memref_slice %arg7[%dma_start3A_345, %dma_start3A_347, %dma_start3A_348] : memref<2x128x384xf32, #tpu.memory_space<vmem>> -> memref<1x128x384xf32, #tpu.memory_space<vmem>>
    %dma_start3A_350 = tpu.memref_squeeze %dma_start3A_349 : memref<1x128x384xf32, #tpu.memory_space<vmem>> -> memref<128x384xf32, #tpu.memory_space<vmem>>
    %dma_start3A_351 = arith.constant 0 : i32
    %dma_start3A_352 = tpu.memref_slice %arg3[%dma_start3A_351, %multiple_of3A_344] : memref<128x65536xf32, #tpu.memory_space<hbm>> -> memref<128x384xf32, #tpu.memory_space<hbm>>
    %dma_start3A_353 = tpu.memref_slice %arg10[%dma_start3A_346] : memref<2x!tpu.dma_semaphore, #tpu.memory_space<semaphore_mem>> -> memref<1x!tpu.dma_semaphore, #tpu.memory_space<semaphore_mem>>
    %dma_start3A_354 = tpu.memref_squeeze %dma_start3A_353 : memref<1x!tpu.dma_semaphore, #tpu.memory_space<semaphore_mem>> -> memref<!tpu.dma_semaphore, #tpu.memory_space<semaphore_mem>>
    %dma_start3A_355 = arith.constant 0 : i32
    %dma_start3A_356 = arith.constant 0 : i32
    %dma_start3A_357 = tpu.memref_slice %arg7[%dma_start3A_345, %dma_start3A_355, %dma_start3A_356] : memref<2x128x384xf32, #tpu.memory_space<vmem>> -> memref<1x128x384xf32, #tpu.memory_space<vmem>>
    %dma_start3A_358 = tpu.memref_squeeze %dma_start3A_357 : memref<1x128x384xf32, #tpu.memory_space<vmem>> -> memref<128x384xf32, #tpu.memory_space<vmem>>
    %dma_start3A_359 = arith.constant 0 : i32
    %dma_start3A_360 = tpu.memref_slice %arg3[%dma_start3A_359, %multiple_of3A_344] : memref<128x65536xf32, #tpu.memory_space<hbm>> -> memref<128x384xf32, #tpu.memory_space<hbm>>
    tpu.enqueue_dma source(%dma_start3A_360 : memref<128x384xf32, #tpu.memory_space<hbm>>) target(%dma_start3A_358 : memref<128x384xf32, #tpu.memory_space<vmem>>) target_semaphore(%dma_start3A_354 : memref<!tpu.dma_semaphore, #tpu.memory_space<semaphore_mem>>)
    %dma_wait3A_361 = arith.constant 0 : i32
    %dma_wait3A_362 = arith.constant 0 : i32
    %dma_wait3A_363 = arith.constant 0 : i32
    %dma_wait3A_364 = arith.constant 0 : i32
    %dma_wait3A_365 = tpu.memref_slice %arg7[%dma_wait3A_361, %dma_wait3A_363, %dma_wait3A_364] : memref<2x128x384xf32, #tpu.memory_space<vmem>> -> memref<1x128x384xf32, #tpu.memory_space<vmem>>
    %dma_wait3A_366 = tpu.memref_squeeze %dma_wait3A_365 : memref<1x128x384xf32, #tpu.memory_space<vmem>> -> memref<128x384xf32, #tpu.memory_space<vmem>>
    %dma_wait3A_367 = arith.constant 0 : i32
    %dma_wait3A_368 = tpu.memref_slice %arg3[%dma_wait3A_367, %multiple_of3A_344] : memref<128x65536xf32, #tpu.memory_space<hbm>> -> memref<128x384xf32, #tpu.memory_space<hbm>>
    %dma_wait3A_369 = tpu.memref_slice %arg10[%dma_wait3A_362] : memref<2x!tpu.dma_semaphore, #tpu.memory_space<semaphore_mem>> -> memref<1x!tpu.dma_semaphore, #tpu.memory_space<semaphore_mem>>
    %dma_wait3A_370 = tpu.memref_squeeze %dma_wait3A_369 : memref<1x!tpu.dma_semaphore, #tpu.memory_space<semaphore_mem>> -> memref<!tpu.dma_semaphore, #tpu.memory_space<semaphore_mem>>
    %dma_wait3A_371 = arith.constant 0 : i32
    %dma_wait3A_372 = arith.constant 0 : i32
    %dma_wait3A_373 = tpu.memref_slice %arg7[%dma_wait3A_361, %dma_wait3A_371, %dma_wait3A_372] : memref<2x128x384xf32, #tpu.memory_space<vmem>> -> memref<1x128x384xf32, #tpu.memory_space<vmem>>
    %dma_wait3A_374 = tpu.memref_squeeze %dma_wait3A_373 : memref<1x128x384xf32, #tpu.memory_space<vmem>> -> memref<128x384xf32, #tpu.memory_space<vmem>>
    %dma_wait3A_375 = arith.constant 0 : i32
    %dma_wait3A_376 = tpu.memref_slice %arg3[%dma_wait3A_375, %multiple_of3A_344] : memref<128x65536xf32, #tpu.memory_space<hbm>> -> memref<128x384xf32, #tpu.memory_space<hbm>>
    tpu.wait_dma2 semaphore(%dma_wait3A_370 : memref<!tpu.dma_semaphore, #tpu.memory_space<semaphore_mem>>) src(%dma_wait3A_376 : memref<128x384xf32, #tpu.memory_space<hbm>>) dst(%dma_wait3A_374 : memref<128x384xf32, #tpu.memory_space<vmem>>)
    %mul3A_377 = arith.constant 5 : i32
    %mul3A_378 = arith.muli %add3A, %mul3A_377 : i32
    %add3A_379 = arith.constant 4 : i32
    %add3A_380 = arith.addi %mul3A_378, %add3A_379 : i32
    %mul3A_381 = arith.constant 384 : i32
    %mul3A_382 = arith.muli %add3A_380, %mul3A_381 : i32
    %ge3A_383 = arith.cmpi sge, %mul3A_382, %multiple_of3A : i32
    %add3A_384 = arith.constant 4096 : i32
    %add3A_385 = arith.addi %mul3A_382, %add3A_384 : i32
    %select_n3A_386 = arith.select %ge3A_383, %add3A_385, %mul3A_382 : i32
    %multiple_of3A_387 = tpu.assume_multiple %select_n3A_386, 384 : i32
    %dma_start3A_388 = arith.constant 0 : i32
    %dma_start3A_389 = arith.constant 0 : i32
    %dma_start3A_390 = arith.constant 0 : i32
    %dma_start3A_391 = arith.constant 0 : i32
    %dma_start3A_392 = tpu.memref_slice %arg7[%dma_start3A_388, %dma_start3A_390, %dma_start3A_391] : memref<2x128x384xf32, #tpu.memory_space<vmem>> -> memref<1x128x384xf32, #tpu.memory_space<vmem>>
    %dma_start3A_393 = tpu.memref_squeeze %dma_start3A_392 : memref<1x128x384xf32, #tpu.memory_space<vmem>> -> memref<128x384xf32, #tpu.memory_space<vmem>>
    %dma_start3A_394 = arith.constant 0 : i32
    %dma_start3A_395 = tpu.memref_slice %arg5[%dma_start3A_394, %multiple_of3A_387] : memref<128x65536xf32, #tpu.memory_space<hbm>> -> memref<128x384xf32, #tpu.memory_space<hbm>>
    %dma_start3A_396 = tpu.memref_slice %arg11[%dma_start3A_389] : memref<2x!tpu.dma_semaphore, #tpu.memory_space<semaphore_mem>> -> memref<1x!tpu.dma_semaphore, #tpu.memory_space<semaphore_mem>>
    %dma_start3A_397 = tpu.memref_squeeze %dma_start3A_396 : memref<1x!tpu.dma_semaphore, #tpu.memory_space<semaphore_mem>> -> memref<!tpu.dma_semaphore, #tpu.memory_space<semaphore_mem>>
    %dma_start3A_398 = arith.constant 0 : i32
    %dma_start3A_399 = tpu.memref_slice %arg5[%dma_start3A_398, %multiple_of3A_387] : memref<128x65536xf32, #tpu.memory_space<hbm>> -> memref<128x384xf32, #tpu.memory_space<hbm>>
    %dma_start3A_400 = arith.constant 0 : i32
    %dma_start3A_401 = arith.constant 0 : i32
    %dma_start3A_402 = tpu.memref_slice %arg7[%dma_start3A_388, %dma_start3A_400, %dma_start3A_401] : memref<2x128x384xf32, #tpu.memory_space<vmem>> -> memref<1x128x384xf32, #tpu.memory_space<vmem>>
    %dma_start3A_403 = tpu.memref_squeeze %dma_start3A_402 : memref<1x128x384xf32, #tpu.memory_space<vmem>> -> memref<128x384xf32, #tpu.memory_space<vmem>>
    tpu.enqueue_dma source(%dma_start3A_403 : memref<128x384xf32, #tpu.memory_space<vmem>>) target(%dma_start3A_399 : memref<128x384xf32, #tpu.memory_space<hbm>>) target_semaphore(%dma_start3A_397 : memref<!tpu.dma_semaphore, #tpu.memory_space<semaphore_mem>>)
    %dma_wait3A_404 = arith.constant 0 : i32
    %dma_wait3A_405 = tpu.memref_slice %arg2[%dma_wait3A_404, %mul3A_29] : memref<128x4096xf32, #tpu.memory_space<hbm>> -> memref<128x128xf32, #tpu.memory_space<hbm>>
    %dma_wait3A_406 = arith.constant 0 : i32
    %dma_wait3A_407 = tpu.memref_slice %arg2[%dma_wait3A_406, %mul3A_29] : memref<128x4096xf32, #tpu.memory_space<hbm>> -> memref<128x128xf32, #tpu.memory_space<hbm>>
    tpu.wait_dma2 semaphore(%arg12 : memref<!tpu.dma_semaphore, #tpu.memory_space<semaphore_mem>>) src(%dma_wait3A_407 : memref<128x128xf32, #tpu.memory_space<hbm>>) dst(%arg8 : memref<128x128xf32, #tpu.memory_space<vmem>>)
    %mul3A_408 = arith.constant 128 : i32
    %mul3A_409 = arith.muli %add3A, %mul3A_408 : i32
    %add3A_410 = arith.addi %multiple_of3A, %mul3A_409 : i32
    %dma_start3A_411 = arith.constant 0 : i32
    %dma_start3A_412 = tpu.memref_slice %arg5[%dma_start3A_411, %add3A_410] : memref<128x65536xf32, #tpu.memory_space<hbm>> -> memref<128x128xf32, #tpu.memory_space<hbm>>
    %dma_start3A_413 = arith.constant 0 : i32
    %dma_start3A_414 = tpu.memref_slice %arg5[%dma_start3A_413, %add3A_410] : memref<128x65536xf32, #tpu.memory_space<hbm>> -> memref<128x128xf32, #tpu.memory_space<hbm>>
    tpu.enqueue_dma source(%arg8 : memref<128x128xf32, #tpu.memory_space<vmem>>) target(%dma_start3A_414 : memref<128x128xf32, #tpu.memory_space<hbm>>) target_semaphore(%arg13 : memref<!tpu.dma_semaphore, #tpu.memory_space<semaphore_mem>>)
    %eq3A = arith.constant 0 : i32
    %eq3A_415 = arith.cmpi eq, %add3A, %eq3A : i32
    %convert_element_type3A = arith.extui %eq3A_415 : i1 to i32
    %cond3A = arith.constant 0 : i32
    %cond3A_416 = arith.cmpi ne, %convert_element_type3A, %cond3A : i32
    scf.if %cond3A_416 {
      %add3A_453 = arith.constant 4096 : i32
      %add3A_454 = vector.broadcast %add3A_453 : i32 to vector<16xi32>
      %add3A_455 = arith.addi %get3A_2, %add3A_454 : vector<16xi32>
      %broadcast_in_dim3A = arith.constant 65536 : i32
      %broadcast_in_dim3A_456 = vector.broadcast %broadcast_in_dim3A : i32 to vector<16xi32>
      %rem3A = arith.remsi %add3A_455, %broadcast_in_dim3A_456 : vector<16xi32>
      %swap3A = arith.constant 0 : index
      %swap3A_457 = tpu.vector_load %arg9[%swap3A] {strides = array<i32>} : memref<16xi32, #tpu.memory_space<vmem>>, vector<16xi32>,
      %swap3A_458 = vector.shape_cast %swap3A_457 : vector<16xi32> to vector<16xi32>
      %swap3A_459 = vector.shape_cast %rem3A : vector<16xi32> to vector<16xi32>
      tpu.vector_store %arg9[%swap3A], %swap3A_459 {strides = array<i32>} : memref<16xi32, #tpu.memory_space<vmem>>, vector<16xi32>,
      "tpu.region"() ({
        %run_scoped3A = tpu.sem_alloc : memref<!tpu.dma_semaphore, #tpu.memory_space<semaphore_mem>>
        %dma_start3A_460 = arith.constant 0 : i32
        %dma_start3A_461 = tpu.memref_slice %arg9[%dma_start3A_460] : memref<16xi32, #tpu.memory_space<vmem>> -> memref<1xi32, #tpu.memory_space<vmem>>
        %dma_start3A_462 = arith.constant 0 : i32
        %dma_start3A_463 = tpu.memref_slice %arg9[%dma_start3A_462] : memref<16xi32, #tpu.memory_space<vmem>> -> memref<1xi32, #tpu.memory_space<vmem>>
        tpu.enqueue_dma source(%dma_start3A_463 : memref<1xi32, #tpu.memory_space<vmem>>) target(%arg6 : memref<1xi32, #tpu.memory_space<hbm>>) target_semaphore(%run_scoped3A : memref<!tpu.dma_semaphore, #tpu.memory_space<semaphore_mem>>)
        %dma_wait3A_464 = arith.constant 0 : i32
        %dma_wait3A_465 = tpu.memref_slice %arg9[%dma_wait3A_464] : memref<16xi32, #tpu.memory_space<vmem>> -> memref<1xi32, #tpu.memory_space<vmem>>
        %dma_wait3A_466 = arith.constant 0 : i32
        %dma_wait3A_467 = tpu.memref_slice %arg9[%dma_wait3A_466] : memref<16xi32, #tpu.memory_space<vmem>> -> memref<1xi32, #tpu.memory_space<vmem>>
        tpu.wait_dma2 semaphore(%run_scoped3A : memref<!tpu.dma_semaphore, #tpu.memory_space<semaphore_mem>>) src(%dma_wait3A_467 : memref<1xi32, #tpu.memory_space<vmem>>) dst(%arg6 : memref<1xi32, #tpu.memory_space<hbm>>)
        tpu.yield
      }) : () -> ()
    } else {
    }
    %dma_wait3A_417 = arith.constant 1 : i32
    %dma_wait3A_418 = arith.constant 1 : i32
    %dma_wait3A_419 = arith.constant 0 : i32
    %dma_wait3A_420 = arith.constant 0 : i32
    %dma_wait3A_421 = tpu.memref_slice %arg7[%dma_wait3A_417, %dma_wait3A_419, %dma_wait3A_420] : memref<2x128x384xf32, #tpu.memory_space<vmem>> -> memref<1x128x384xf32, #tpu.memory_space<vmem>>
    %dma_wait3A_422 = tpu.memref_squeeze %dma_wait3A_421 : memref<1x128x384xf32, #tpu.memory_space<vmem>> -> memref<128x384xf32, #tpu.memory_space<vmem>>
    %dma_wait3A_423 = arith.constant 0 : i32
    %dma_wait3A_424 = tpu.memref_slice %arg5[%dma_wait3A_423, %multiple_of3A_301] : memref<128x65536xf32, #tpu.memory_space<hbm>> -> memref<128x384xf32, #tpu.memory_space<hbm>>
    %dma_wait3A_425 = tpu.memref_slice %arg11[%dma_wait3A_418] : memref<2x!tpu.dma_semaphore, #tpu.memory_space<semaphore_mem>> -> memref<1x!tpu.dma_semaphore, #tpu.memory_space<semaphore_mem>>
    %dma_wait3A_426 = tpu.memref_squeeze %dma_wait3A_425 : memref<1x!tpu.dma_semaphore, #tpu.memory_space<semaphore_mem>> -> memref<!tpu.dma_semaphore, #tpu.memory_space<semaphore_mem>>
    %dma_wait3A_427 = arith.constant 0 : i32
    %dma_wait3A_428 = tpu.memref_slice %arg5[%dma_wait3A_427, %multiple_of3A_301] : memref<128x65536xf32, #tpu.memory_space<hbm>> -> memref<128x384xf32, #tpu.memory_space<hbm>>
    %dma_wait3A_429 = arith.constant 0 : i32
    %dma_wait3A_430 = arith.constant 0 : i32
    %dma_wait3A_431 = tpu.memref_slice %arg7[%dma_wait3A_417, %dma_wait3A_429, %dma_wait3A_430] : memref<2x128x384xf32, #tpu.memory_space<vmem>> -> memref<1x128x384xf32, #tpu.memory_space<vmem>>
    %dma_wait3A_432 = tpu.memref_squeeze %dma_wait3A_431 : memref<1x128x384xf32, #tpu.memory_space<vmem>> -> memref<128x384xf32, #tpu.memory_space<vmem>>
    tpu.wait_dma2 semaphore(%dma_wait3A_426 : memref<!tpu.dma_semaphore, #tpu.memory_space<semaphore_mem>>) src(%dma_wait3A_432 : memref<128x384xf32, #tpu.memory_space<vmem>>) dst(%dma_wait3A_428 : memref<128x384xf32, #tpu.memory_space<hbm>>)
    %dma_wait3A_433 = arith.constant 0 : i32
    %dma_wait3A_434 = arith.constant 0 : i32
    %dma_wait3A_435 = arith.constant 0 : i32
    %dma_wait3A_436 = arith.constant 0 : i32
    %dma_wait3A_437 = tpu.memref_slice %arg7[%dma_wait3A_433, %dma_wait3A_435, %dma_wait3A_436] : memref<2x128x384xf32, #tpu.memory_space<vmem>> -> memref<1x128x384xf32, #tpu.memory_space<vmem>>
    %dma_wait3A_438 = tpu.memref_squeeze %dma_wait3A_437 : memref<1x128x384xf32, #tpu.memory_space<vmem>> -> memref<128x384xf32, #tpu.memory_space<vmem>>
    %dma_wait3A_439 = arith.constant 0 : i32
    %dma_wait3A_440 = tpu.memref_slice %arg5[%dma_wait3A_439, %multiple_of3A_387] : memref<128x65536xf32, #tpu.memory_space<hbm>> -> memref<128x384xf32, #tpu.memory_space<hbm>>
    %dma_wait3A_441 = tpu.memref_slice %arg11[%dma_wait3A_434] : memref<2x!tpu.dma_semaphore, #tpu.memory_space<semaphore_mem>> -> memref<1x!tpu.dma_semaphore, #tpu.memory_space<semaphore_mem>>
    %dma_wait3A_442 = tpu.memref_squeeze %dma_wait3A_441 : memref<1x!tpu.dma_semaphore, #tpu.memory_space<semaphore_mem>> -> memref<!tpu.dma_semaphore, #tpu.memory_space<semaphore_mem>>
    %dma_wait3A_443 = arith.constant 0 : i32
    %dma_wait3A_444 = tpu.memref_slice %arg5[%dma_wait3A_443, %multiple_of3A_387] : memref<128x65536xf32, #tpu.memory_space<hbm>> -> memref<128x384xf32, #tpu.memory_space<hbm>>
    %dma_wait3A_445 = arith.constant 0 : i32
    %dma_wait3A_446 = arith.constant 0 : i32
    %dma_wait3A_447 = tpu.memref_slice %arg7[%dma_wait3A_433, %dma_wait3A_445, %dma_wait3A_446] : memref<2x128x384xf32, #tpu.memory_space<vmem>> -> memref<1x128x384xf32, #tpu.memory_space<vmem>>
    %dma_wait3A_448 = tpu.memref_squeeze %dma_wait3A_447 : memref<1x128x384xf32, #tpu.memory_space<vmem>> -> memref<128x384xf32, #tpu.memory_space<vmem>>
    tpu.wait_dma2 semaphore(%dma_wait3A_442 : memref<!tpu.dma_semaphore, #tpu.memory_space<semaphore_mem>>) src(%dma_wait3A_448 : memref<128x384xf32, #tpu.memory_space<vmem>>) dst(%dma_wait3A_444 : memref<128x384xf32, #tpu.memory_space<hbm>>)
    %dma_wait3A_449 = arith.constant 0 : i32
    %dma_wait3A_450 = tpu.memref_slice %arg5[%dma_wait3A_449, %add3A_410] : memref<128x65536xf32, #tpu.memory_space<hbm>> -> memref<128x128xf32, #tpu.memory_space<hbm>>
    %dma_wait3A_451 = arith.constant 0 : i32
    %dma_wait3A_452 = tpu.memref_slice %arg5[%dma_wait3A_451, %add3A_410] : memref<128x65536xf32, #tpu.memory_space<hbm>> -> memref<128x128xf32, #tpu.memory_space<hbm>>
    tpu.wait_dma2 semaphore(%arg13 : memref<!tpu.dma_semaphore, #tpu.memory_space<semaphore_mem>>) src(%arg8 : memref<128x128xf32, #tpu.memory_space<vmem>>) dst(%dma_wait3A_452 : memref<128x128xf32, #tpu.memory_space<hbm>>)
    return
  }
}

module attributes {stable_mosaic.version = 14 : i64} {
  func.func @_tr_body(%arg0: i32, %arg1: memref<512x128xf32, #tpu.memory_space<vmem>>, %arg2: memref<128x512xf32, #tpu.memory_space<vmem>>) attributes {dimension_semantics = [#tpu.dimension_semantics<arbitrary>], iteration_bounds = array<i64: 8>, scalar_prefetch = 0 : i64, scratch_operands = 0 : i64, tpu.core_type = #tpu.core_type<tc>, window_params = [{transform_indices = @transform_0, window_bounds = array<i64: 512, 128>}, {transform_indices = @transform_1, window_bounds = array<i64: 128, 512>}]} {
    %get3A = arith.constant 0 : index
    %get3A_0 = arith.constant 0 : index
    %get3A_1 = vector.load %arg1[%get3A, %get3A_0] : memref<512x128xf32, #tpu.memory_space<vmem>>, vector<512x128xf32>
    %transpose3A = tpu.transpose %get3A_1, [1, 0] : vector<512x128xf32> -> vector<128x512xf32>
    %swap3A = arith.constant 0 : index
    %swap3A_2 = arith.constant 0 : index
    %swap3A_3 = vector.load %arg2[%swap3A, %swap3A_2] : memref<128x512xf32, #tpu.memory_space<vmem>>, vector<128x512xf32>
    tpu.vector_store %arg2[%swap3A, %swap3A_2], %transpose3A {strides = array<i32>} : memref<128x512xf32, #tpu.memory_space<vmem>>, vector<128x512xf32>,
    return
  }
  func.func @transform_0(%arg0: i32) -> (i32, i32) {
    %c0_i32 = arith.constant 0 : i32
    %c0_i32_0 = arith.constant 0 : i32
    return %arg0, %c0_i32 : i32, i32
  }
  func.func @transform_1(%arg0: i32) -> (i32, i32) {
    %c0_i32 = arith.constant 0 : i32
    %c0_i32_0 = arith.constant 0 : i32
    return %c0_i32, %arg0 : i32, i32
  }
}

</mosaic_0001>

<sc_bundles>
// kernel: kernel.4.cloned.1.call-start
scs
__scs_entry_jumppad:
0x0: {  	(pc) =	sbr.rel $0x88, $3  }
0x1: {  	(tag) =	ssettag $0x0;
	lr =	simm.s32 $0x1  }
0x2: {  	[smem:$0x3F9E] =	sst lr;
	_ =	strace $0xD0000000  }
0x3: {  	_ = 	snop  }
0x4: {  	_ = 	snop  }
0x5: {  	_ = 	snop  }
0x6: {  	_ = 	snop  }
0x7: {  	_ = 	snop  }
__scs_overlays_trampoline_lowered:
0x8: {  	[smem:$0x3FAD] =	sst s0  }
0x9: {  	[smem:$0x3FAE] =	sst s1  }
0xa: {  	[smem:$0x3FAF] =	sst s2  }
0xb: {  	[smem:$0x3FB0] =	sst s3  }
0xc: {  	[smem:$0x3FB1] =	sst s4  }
0xd: {  	[smem:$0x3FB2] =	sst s5  }
0xe: {  	[smem:$0x3FB3] =	sst s6  }
0xf: {  	[smem:$0x3FB4] =	sst s7  }
0x10: {  	[smem:$0x3FB5] =	sst s8  }
0x11: {  	[smem:$0x3FB6] =	sst s9;
	s0 =	simm.s32 @!p0 $0x0  }
0x12: {  	s1 =	sld [smem:$0x3F9C];
	s0 =	simm.s32 @p0 $0x1  }
0x13: {  	[smem:$0x3FB7] =	sst s0;
	s0 =	simm.s32 @!p1 $0x0  }
0x14: {  	s2 =	sld [smem:$0x3F9B];
	s0 =	simm.s32 @p1 $0x1  }
0x15: {  	[smem:$0x3FB8] =	sst s0;
	s0 =	simm.s32 @!p2 $0x0  }
0x16: {  	s3 =	sld [smem:$0x3FDB];
	s0 =	simm.s32 @p2 $0x1  }
0x17: {  	s4 =	simm.s32 $0x1BF5;
	[smem:$0x3FBA] =	sst s0  }
0x18: {  	s0 =	sld [smem:$0x3F9D];
	_ =	swait.ge [sflag:s4], $0x0  }
0x19: {  	s7 =	sld [smem:$0x3F9E]  }
0x1a: {  	s8 =	sadd.s32 $0xFFFFE003, lr  }
0x1b: {  	s9 =	sadd.s32 $0xFFFFFEF7, lr;
	s5 =	simm.s32 $0xFFFFFFFF;
	p2 =	slt.u32 s8, $0xFFFFF086  }
0x1c: {  	p1 =	slt.u32 s9, $0xF7A;
	s5 =	simm.s32 @!p2 $0x0  }
0x1d: {  	s5 =	simm.s32 @p1 $0x1;
	p0 =	seq.s32 s7, s2  }
0x1e: {  	s7 =	smul.u32 @!p0 $0xF7A, s2;
	p2 =	seq.s32 @!p0 s5, $0x0  }
0x1f: {  	s9 =	smul.u32 $0xF7A, s1;
	s8 =	simm.s32 @!p0 $0x1BF5;
	p2 =	por !p2, p0  }
0x20: {  	[sflag:s8] =	ssyncset.s32 @!p0 $0xFFFFF086;
	s6 =	sadd.s32 @!p0 s3, s7;
	s7 =	simm.s32 @!p0 $0x108  }
0x21: {  	s3 =	sadd.s32 s3, s9;
	s6 =	sadd.s32 @!p0 $0x88, s6;
	s7 =	simm.s32 @p2 $0x1082  }
0x22: {  	[simem:s7], [sflag:s8] =	dma.local @!p0 [hbm:s6], $0xF7A  }
0x23: {  	s9 =	sor.u32 $0xD0000000, s2;
	s6 =	simm.s32 $0x108;
	_ =	swait.ge @!p0 [sflag:s8], $0x0  }
0x24: {  	s3 =	sadd.s32 $0x88, s3;
	s6 =	simm.s32 @!p1 $0x1082;
	[sflag:s4] =	ssyncset.s32 $0xFFFFF086  }
0x25: {  	[simem:s6], [sflag:s4] =	dma.local [hbm:s3], $0xF7A  }
0x26: {  	[smem:$0x3F9E] =	sst s1;
	(tag) =	ssettag s2;
	_ =	strace s9  }
0x27: {  	s1 =	sld [smem:$0x3FAE]  }
0x28: {  	s2 =	sld [smem:$0x3FAF]  }
0x29: {  	s4 =	sld [smem:$0x3FB1]  }
0x2a: {  	p0 =	seq.s32 s5, $0x0;
	s5 =	sld [smem:$0x3FB2]  }
0x2b: {  	s6 =	sld [smem:$0x3FB3]  }
0x2c: {  	s7 =	sld [smem:$0x3FB4]  }
0x2d: {  	s3 =	simm.s32 $0x108;
	s8 =	sld [smem:$0x3FB5]  }
0x2e: {  	s3 =	simm.s32 @!p0 $0x1082;
	s9 =	sld [smem:$0x3FB6]  }
0x2f: {  	lr =	sadd.s32 s0, s3;
	s0 =	sld [smem:$0x3FAD]  }
0x30: {  	s3 =	sld [smem:$0x3FB0]  }
0x31: {  	[smem:$0x3FB9] =	sst s10  }
0x32: {  	s10 =	sld [smem:$0x3FB7];
	_ =	sdelay $0x3  }
0x33: {  	p0 =	seq.s32 s10, $0x1;
	s10 =	sld [smem:$0x3FB9];
	_ =	sdelay $0x3  }
0x34: {  	[smem:$0x3FB9] =	sst s10  }
0x35: {  	s10 =	sld [smem:$0x3FB8];
	_ =	sdelay $0x3  }
0x36: {  	p1 =	seq.s32 s10, $0x1;
	s10 =	sld [smem:$0x3FB9];
	_ =	sdelay $0x3  }
0x37: {  	[smem:$0x3FB9] =	sst s10  }
0x38: {  	s10 =	sld [smem:$0x3FBA]  }
0x39: {  	_ = 	snop;
	(pc) =	sbr.ind lr, $3  }
0x3a: {  	_ = 	snop  }
0x3b: {  	_ = 	snop  }
0x3c: {  	p2 =	seq.s32 s10, $0x1;
	s10 =	sld [smem:$0x3FB9]  }
0x3d: {  	_ =	shalt  }
0x3e: {  	_ =	shalt  }
0x3f: {  	_ =	shalt  }
0x40: {  	_ =	shalt  }
0x41: {  	_ =	shalt  }
0x42: {  	_ =	shalt  }
0x43: {  	_ =	shalt  }
0x44: {  	_ =	shalt  }
0x45: {  	_ =	shalt  }
0x46: {  	_ =	shalt  }
0x47: {  	_ =	shalt  }
0x48: {  	_ =	shalt  }
0x49: {  	_ =	shalt  }
0x4a: {  	_ =	shalt  }
0x4b: {  	_ =	shalt  }
0x4c: {  	_ =	shalt  }
0x4d: {  	_ =	shalt  }
0x4e: {  	_ =	shalt  }
0x4f: {  	_ =	shalt  }
0x50: {  	_ =	shalt  }
0x51: {  	_ =	shalt  }
0x52: {  	_ =	shalt  }
0x53: {  	_ =	shalt  }
0x54: {  	_ =	shalt  }
0x55: {  	_ =	shalt  }
0x56: {  	_ =	shalt  }
0x57: {  	_ =	shalt  }
0x58: {  	_ =	shalt  }
0x59: {  	_ =	shalt  }
0x5a: {  	_ =	shalt  }
0x5b: {  	_ =	shalt  }
0x5c: {  	_ =	shalt  }
0x5d: {  	_ =	shalt  }
0x5e: {  	_ =	shalt  }
0x5f: {  	_ =	shalt  }
0x60: {  	_ =	shalt  }
0x61: {  	_ =	shalt  }
0x62: {  	_ =	shalt  }
0x63: {  	_ =	shalt  }
0x64: {  	_ =	shalt  }
0x65: {  	_ =	shalt  }
0x66: {  	_ =	shalt  }
0x67: {  	_ =	shalt  }
0x68: {  	_ =	shalt  }
0x69: {  	_ =	shalt  }
0x6a: {  	_ =	shalt  }
0x6b: {  	_ =	shalt  }
0x6c: {  	_ =	shalt  }
0x6d: {  	_ =	shalt  }
0x6e: {  	_ =	shalt  }
0x6f: {  	_ =	shalt  }
0x70: {  	_ =	shalt  }
0x71: {  	_ =	shalt  }
0x72: {  	_ =	shalt  }
0x73: {  	_ =	shalt  }
0x74: {  	_ =	shalt  }
0x75: {  	_ =	shalt  }
0x76: {  	_ =	shalt  }
0x77: {  	_ =	shalt  }
0x78: {  	_ =	shalt  }
0x79: {  	_ =	shalt  }
0x7a: {  	_ =	shalt  }
0x7b: {  	_ =	shalt  }
0x7c: {  	_ =	shalt  }
0x7d: {  	_ =	shalt  }
0x7e: {  	_ =	shalt  }
0x7f: {  	_ =	shalt  }
0x80: {  	_ =	shalt  }
0x81: {  	_ =	shalt  }
0x82: {  	_ =	shalt  }
0x83: {  	_ =	shalt  }
0x84: {  	_ =	shalt  }
0x85: {  	_ =	shalt  }
0x86: {  	_ =	shalt  }
0x87: {  	_ =	shalt  }
.Lfunc_end0:
.L_simem_size_0:
called_computation_lowered:
.L_overlay_start_0:
0x88: {  	s2 =	sld [smem:$0x3FD9]  }
0x89: {  	s3 =	sld [smem:$0x3FFE];
	_ =	sdelay $0x1  }
0x8a: {  	s1 =	srdreg.scid  }
0x8b: {  	s0 =	sand.u32 $0x1, s1  }
0x8c: {  	s14 =	sshll.u32 s0, $0xA;
	s2 =	sadd.s32 s3, s2  }
0x8d: {  	s2 =	sadd.s32 s2, s14  }
0x8e: {  	[smem:$0x3FC5] =	sst s2  }
0x8f: {  	_ = 	snop  }
0x90: {  	s2 =	sld [smem:$0x3FD0];
	_ =	sdelay $0x2  }
0x91: {  	s4 =	simm.s32 $0xA;
	s5 =	simm.s32 $0x10;
	s15 =	sld [smem:$0x3FC8]  }
0x92: {  	[smem:s5], [sflag:s4] =	dma.local [hbm:s2], $0x1  }
0x93: {  	_ =	swait.eq [sflag:s4], $0x1  }
0x94: {  	[sflag:s4] =	ssyncset.done $0x0  }
0x95: {  	s16 =	sld [smem:$0x10];
	[sflag:s4] =	ssyncadd.s32 $0xFFFFFFFF  }
0x96: {  	s17 =	sld [smem:$0x11];
	(tm) =	ssettm $0x1  }
0x97: {  	s18 =	sld [smem:$0x3FFB];
	_ =	sdelay $0x3  }
0x98: {  	_ =	strace s18  }
0x99: {  	s5 =	sld [smem:$0x3FFC];
	_ =	sdelay $0x3  }
0x9a: {  	_ =	strace s5  }
0x9b: {  	s5 =	sld [smem:$0x3FFD];
	_ =	sdelay $0x3  }
0x9c: {  	_ =	strace s5  }
0x9d: {  	_ =	strace $0x8FFFFFFF  }
0x9e: {  	s19 =	sld [smem:$0x3FDB];
	_ =	sdelay $0x1  }
0x9f: {  	s6 =	simm.s32 $_scs_section_size  }
0xa0: {  	s7 =	simm.s32 $_size__tile_overlayer_lowered;
	s8 =	simm.s32 $_tile_overlayer_lowered  }
0xa1: {  	s22 =	simm.s32 $0x1BFF;
	s21 =	sshll.u32 s8, $0x1;
	s5 =	sadd.s32 s6, s19  }
0xa2: {  	s9 =	simm.s32 $0x0;
	s20 =	sshll.u32 s7, $0x1;
	s7 =	sadd.s32 s21, s5  }
0xa3: {  	[timem:s9], [sflag:s22] =	dma.local [hbm:s7], s20  }
0xa4: {  	_ =	swait.ge [sflag:s22], s20  }
0xa5: {  	s6 =	ssub.s32 $0x0, s20;
	[sflag:s22] =	ssyncset.done $0x0  }
0xa6: {  	[sflag:s22] =	ssyncadd.s32 s6;
	_ =	sdelay $0x1  }
0xa7: {  	s23 =	simm.s32 $0x1B8B  }
0xa8: {  	_ =	swait.ge [sflag:s23], $0x1  }
0xa9: {  	[sflag:s23] =	ssyncset.done $0x0  }
0xaa: {  	s25 =	simm.s32 $0x1B8E;
	s24 =	sld [smem:$0x3FFE];
	[sflag:s23] =	ssyncadd.s32 $0xFFFFFFFF  }
0xab: {  	s26 =	simm.s32 $execute0_lowered;
	[smem:$0x3FD2] =	sst s25  }
0xac: {  	s7 =	sshll.u32 s26, $0x1;
	_ =	strace $0x80000046;
	[dreg:$0x1] =	wrdreg $0xFFFFFFFF  }
0xad: {  	s28 =	simm.s32 $_size_execute0_lowered;
	s5 =	sadd.s32 s5, s7;
	[dreg:$0x0] =	wrdreg $0x0  }
0xae: {  	s7 =	sshll.u32 s28, $0x1;
	[dreg:$0x2] =	wrdreg s5  }
0xaf: {  	[dreg:$0x3] =	wrdreg s7  }
0xb0: {  	[dreg:$0x4] =	wrdreg $0xC0  }
0xb1: {  	_ =	task [dreg:s9], $0x5FFFF  }
0xb2: {  	[dreg:$0x1] =	wrdreg $0xFFFFFFFF  }
0xb3: {  	[dreg:$0x0] =	wrdreg $0x60  }
0xb4: {  	[dreg:$0x2] =	wrdreg s24  }
0xb5: {  	[dreg:$0x3] =	wrdreg s15  }
0xb6: {  	[dreg:$0x4] =	wrdreg s16  }
0xb7: {  	[dreg:$0x5] =	wrdreg s17  }
0xb8: {  	[dreg:$0x6] =	wrdreg $0x9  }
0xb9: {  	_ =	task.clear_ibuf [dreg:s9], $0x7FFFF;
	_ =	strace $0x90000046  }
0xba: {  	s29 =	simm.s32 $0x9;
	_ =	strace $0x80000048  }
0xbb: {  	_ =	swait.ge [sflag:s29], $0x1  }
0xbc: {  	[sflag:s29] =	ssyncadd.s32 $0xFFFFFFFF  }
0xbd: {  	_ =	strace $0x90000048  }
0xbe: {  	_ =	sfence  }
0xbf: {  	s30 =	sld [smem:$0x0];
	_ =	sdelay $0x2  }
0xc0: {  	s31 =	sshll.u32 s1, $0xD;
	s1 =	sshrl.u32 s1, $0x2  }
0xc1: {  	s3 =	sand.u32 $0x4000, s31;
	s1 =	sadd.s32 s1, s30  }
0xc2: {  	s0 =	sor.u32 s3, s0;
	s1 =	sshll.u32 s1, $0x11  }
0xc3: {  	s0 =	sor.u32 s1, s0  }
0xc4: {  	s0 =	sadd.s32 $0x8F2B, s0  }
0xc5: {  	[sflag:s0] =	ssyncadd.remote.s32 $0x1  }
0xc6: {  	_ =	sfence.sel $0xFFFF  }
0xc7: {  	[dreg:$0x0] =	wrdreg $0xFFFFFFFF;
	(pc) =	sbr.abs _section_cstart, $3  }
0xc8: {  	[dreg:$0x1] =	wrdreg $0xFFFFFFFF  }
0xc9: {  	_ =	task.clear_ibuf [dreg:s9], $0x2FFFF;
	_ =	strace $0x9FFFFFFF  }
0xca: {  	(tm) =	ssettm $0x7FFFFFFF  }
0xcb: {  	_ =	shalt  }
tec
execute0_lowered:
.L_overlay_start_1:
0x0: {  	(tag) =	ssettag $0x1  }
0x1: {  	s5 =	rddreg [dreg:$0x0]  }
0x2: {  	s3 =	rddreg [dreg:$0x1]  }
0x3: {  	s2 =	rddreg [dreg:$0x2]  }
0x4: {  	s1 =	rddreg [dreg:$0x3];
	s4 =	srdreg.scid  }
0x5: {  	s0 =	stileid.u32;
	[dreg:$0x6] =	wrdreg s1  }
0x6: {  	s6 =	sand.u32 $0x1, s4;
	s1 =	rddreg [dreg:$0x4];
	s4 =	simm.s32 $0x0  }
0x7: {  	s23 =	simm.s32 $0x1C000;
	s8 =	sadd.s32 $0x10A00, s5;
	[smem:$0x7FF] =	sst s4  }
0x8: {  	s7 =	sshll.u32 s0, $0x1;
	_ =	strace $0x80000047;
	[dreg:$0x5] =	wrdreg s8  }
0x9: {  	s24 =	sadd.s32 $0x3FEA, s0;
	s9 =	sor.u32 s6, s7;
	[dreg:$0xe] =	wrdreg s23  }
0xa: {  	s25 =	simm.s32 $0x8000;
	s10 =	smul.u32 $0x780, s9;
	[dreg:$0xd] =	wrdreg s24  }
0xb: {  	s7 =	sshll.u32 s9, $0x7;
	[dreg:$0xf] =	wrdreg s25  }
0xc: {  	s5 =	sadd.s32 s7, s5;
	s8 =	rddreg [dreg:$0x5];
	s18 =	sadd.s32 $0x1000, s10  }
0xd: {  	s5 =	sadd.s32 $0xA00, s5;
	[dreg:$0x7] =	wrdreg s18  }
0xe: {  	s19 =	sadd.s32 $0x1180, s10;
	[dreg:$0x8] =	wrdreg s5  }
0xf: {  	s20 =	sadd.s32 $0x1300, s10;
	[dreg:$0x9] =	wrdreg s19  }
0x10: {  	s21 =	sadd.s32 $0x1480, s10;
	[dreg:$0xa] =	wrdreg s20  }
0x11: {  	s22 =	sadd.s32 $0x1600, s10;
	[dreg:$0xb] =	wrdreg s21  }
0x12: {  	[dreg:$0xc] =	wrdreg s22  }
0x13: {  	s17 =	simm.s32 $0x7;
	s5 =	rddreg [dreg:$0xe]  }
0x14: {  	[tilespmem:s5], [sflag:$0x7] =	stream.linear.gather [hbm4b:s8+s4], $0x80, $0x38;
	[tilespmem:$0x1C080] =	vst v63  }
0x15: {  	_ =	swait.ge [sflag:s17], $0x80  }
0x16: {  	[sflag:s17] =	ssyncset.done $0x0  }
0x17: {  	[sflag:s17] =	ssyncadd.s32 $0xFFFFFF80  }
0x18: {  	v0 =	vld [tilespmem:$0x1C000];
	_ =	sdelay $0x4  }
0x19: {  	(v2sf) =	vpush v0, $0x0;
	_ =	sdelay $0xb  }
0x1a: {  	s6 =	ssub.s32 $0x2, s6  }
0x1b: {  	s11 =	simm.s32 $0xC00;
	s13 =	simm.s32 $0x1;
	s26 =	sshrl.u32 s6, $0x1  }
0x1c: {  	s6 =	ssub.s32 s6, s26;
	s7 =	simm.s32 $0x400;
	s15 =	sadd.s32 $0x480, s10  }
0x1d: {  	s30 =	smax.u32 s6, $0x1;
	s6 =	simm.s32 $0x3;
	s5 =	spop (v2sf)  }
0x1e: {  	s22 =	sadd.s32 $0x180, s10;
	s21 =	sadd.s32 $0x300, s10;
	p0 =	sgt.s32 s5, $0x0  }
0x1f: {  	s18 =	simm.s32 $0xC000;
	s12 =	rddreg [dreg:$0x7];
	s5 =	simm.s32 @!p0 $0x0  }
0x20: {  	s20 =	simm.s32 $0x2;
	s14 =	rddreg [dreg:$0xf];
	s25 =	smin.u32 s5, $0xF000  }
0x21: {  	s8 =	simm.s32 $0x18000;
	s16 =	rddreg [dreg:$0x8];
	p0 =	slt.u32 s10, s25  }
0x22: {  	s5 =	simm.s32 $0x80000;
	s19 =	sshrl.u32 s25, $0x7;
	s12 =	smov.u32 @p0 s10  }
0x23: {  	p1 =	slt.u32 s22, s25;
	s19 =	sadd.s32 s9, s19;
	s29 =	sadd.s32 s3, s12  }
0x24: {  	[tilespmem:s4], [sflag:$0x1] =	stream.strided.gather [hbm4b:s29+s11], $0xC000, s5, s11, $0x38;
	[tilespmem:$0x1C080] =	vst v63  }
0x25: {  	s23 =	sand.u32 $0x78, s25;
	p0 =	sne.s32 s9, $0x0;
	s19 =	sshll.u32 s19, $0xA  }
0x26: {  	[tilespmem:s8], [sflag:$0x5] =	stream.strided.gather [hbm4b:s16+s7], $0x4000, s14, s7, $0x38;
	[tilespmem:$0x1C080] =	vst v63  }
0x27: {  	s12 =	sadd.s32 s2, s12;
	s24 =	sor.u32 s23, s19;
	_ =	swait.ge [sflag:s13], $0xC000  }
0x28: {  	s23 =	sadd.s32 $0xFFFFFFFF, s30;
	s26 =	rddreg [dreg:$0x9];
	[sflag:s13] =	ssyncset.done $0x0  }
0x29: {  	[sflag:s13] =	ssyncadd.s32 $0xFFFF4000;
	s26 =	smov.u32 @p1 s22;
	p1 =	sne.s32 s23, $0x0  }
0x2a: {  	v0 =	vadd.s32 @!p0 $0x1000, v0;
	[hbm4b:s12+s11] =	stream.strided.scatter [tilespmem:s4], [sflag:$0x3], $0xC000, s5, s11, $0x38;
	[tilespmem:$0x1C080] =	vst v63  }
.Ltmp0:
0x2b: {  	v1 =	vshra.s32 @!p0 v0, $0x1F;
	s19 =	simm.s32 $0x5;
	s31 =	sadd.s32 s3, s26;
	(pc) =	sbr.rel @!p1 .LBB2_2-.Ltmp0, $4  }
0x2c: {  	v1 =	vshrl.u32 @!p0 v1, $0x10;
	[tilespmem:s18], [sflag:$0x2] =	stream.strided.gather [hbm4b:s31+s11], $0xC000, s5, s11, $0x38;
	[tilespmem:$0x1C080] =	vst v63  }
0x2d: {  	s24 =	sshrl.u32 s24, $0x3;
	s16 =	sadd.s32 $0x600, s10;
	v1 =	vadd.s32 @!p0 v1, v0;
	_ =	swait.ge [sflag:s20], $0xC000  }
0x2e: {  	s14 =	simm.s32 $0x6;
	v1 =	vand.u32 @!p0 $0xFFFF0000, v1;
	s12 =	simm.s32 $0x4;
	[sflag:s20] =	ssyncset.done $0x0  }
0x2f: {  	v0 =	vsub.s32 @!p0 v0, v1;
	s28 =	sadd.s32 s2, s26;
	s26 =	sand.u32 $0x7, s25;
	[sflag:s20] =	ssyncadd.s32 $0xFFFF4000  }
.LBB2_1:
0x30: {  	[hbm4b:s28+s11] =	stream.strided.scatter [tilespmem:s18], [sflag:$0x4], $0xC000, s5, s11, $0x38;
	[tilespmem:$0x1C080] =	vst v63  }
0x31: {  	_ =	swait.ge [sflag:s6], $0xC000  }
0x32: {  	p2 =	slt.u32 s21, s25;
	s28 =	rddreg [dreg:$0xa]  }
0x33: {  	[sflag:s6] =	ssyncset.done $0x0;
	s28 =	smov.u32 @p2 s21  }
0x34: {  	[sflag:s6] =	ssyncadd.s32 $0xFFFF4000;
	s29 =	sadd.s32 s3, s28  }
0x35: {  	[tilespmem:s4], [sflag:$0x1] =	stream.strided.gather [hbm4b:s29+s11], $0xC000, s5, s11, $0x38;
	[tilespmem:$0x1C080] =	vst v63  }
0x36: {  	_ =	swait.ge [sflag:s13], $0xC000  }
0x37: {  	[sflag:s13] =	ssyncset.done $0x0  }
0x38: {  	s28 =	sadd.s32 s2, s28;
	[sflag:s13] =	ssyncadd.s32 $0xFFFF4000  }
0x39: {  	[hbm4b:s28+s11] =	stream.strided.scatter [tilespmem:s4], [sflag:$0x3], $0xC000, s5, s11, $0x38;
	[tilespmem:$0x1C080] =	vst v63  }
0x3a: {  	_ =	swait.ge [sflag:s12], $0xC000  }
0x3b: {  	p2 =	slt.u32 s15, s25;
	s28 =	rddreg [dreg:$0xb]  }
0x3c: {  	[sflag:s12] =	ssyncset.done $0x0;
	s28 =	smov.u32 @p2 s15  }
0x3d: {  	[sflag:s12] =	ssyncadd.s32 $0xFFFF4000;
	s30 =	sadd.s32 s3, s28  }
0x3e: {  	[tilespmem:s18], [sflag:$0x2] =	stream.strided.gather [hbm4b:s30+s11], $0xC000, s5, s11, $0x38;
	[tilespmem:$0x1C080] =	vst v63  }
0x3f: {  	_ =	swait.ge [sflag:s20], $0xC000  }
0x40: {  	[sflag:s20] =	ssyncset.done $0x0  }
0x41: {  	s28 =	sadd.s32 s2, s28;
	[sflag:s20] =	ssyncadd.s32 $0xFFFF4000  }
0x42: {  	[hbm4b:s28+s11] =	stream.strided.scatter [tilespmem:s18], [sflag:$0x4], $0xC000, s5, s11, $0x38;
	[tilespmem:$0x1C080] =	vst v63  }
0x43: {  	_ =	swait.ge [sflag:s6], $0xC000  }
0x44: {  	p2 =	slt.u32 s16, s25;
	s28 =	rddreg [dreg:$0xc]  }
0x45: {  	[sflag:s6] =	ssyncset.done $0x0;
	s28 =	smov.u32 @p2 s16  }
0x46: {  	[sflag:s6] =	ssyncadd.s32 $0xFFFF4000;
	s31 =	sadd.s32 s3, s28  }
0x47: {  	[tilespmem:s4], [sflag:$0x1] =	stream.strided.gather [hbm4b:s31+s11], $0xC000, s5, s11, $0x38;
	[tilespmem:$0x1C080] =	vst v63  }
0x48: {  	_ =	swait.ge [sflag:s13], $0xC000  }
0x49: {  	[sflag:s13] =	ssyncset.done $0x0  }
0x4a: {  	s29 =	sadd.s32 s2, s28;
	[sflag:s13] =	ssyncadd.s32 $0xFFFF4000  }
0x4b: {  	[hbm4b:s29+s11] =	stream.strided.scatter [tilespmem:s4], [sflag:$0x3], $0xC000, s5, s11, $0x38;
	[tilespmem:$0x1C080] =	vst v63  }
0x4c: {  	_ =	swait.ge [sflag:s19], $0x4000  }
0x4d: {  	s25 =	sld [smem:$0x7FF];
	_ =	sdelay $0x1  }
0x4e: {  	p2 =	seq.s32 s26, $0x0  }
0x4f: {  	p3 =	sne.s32 @!p2 s25, $0x1  }
0x50: {  	s26 =	rddreg [dreg:$0xd];
	[sflag:s19] =	ssyncset.done $0x0;
	p2 =	por !p3, p2  }
0x51: {  	[sflag:s19] =	ssyncadd.s32 $0xFFFFC000;
	s25 =	sor.u32 @!p2 $0x100000, s26  }
0x52: {  	[smem:s25], [sflag:$0x0] =	smem.add.s32 @!p2 $0x1DF;
	s25 =	simm.s32 @!p2 $0x0  }
0x53: {  	s26 =	simm.s32 @!p2 $0x1;
	_ =	swait.done @!p2 [sflag:s25]  }
0x54: {  	[smem:$0x7FF] =	sst @!p2 s26  }
0x55: {  	_ =	sint @!p2 $0x2  }
0x56: {  	s24 =	sadd.s32 s2, s24;
	s28 =	simm.s32 @!p0 $0x7;
	_ =	swait.notdone @!p2 [sflag:s25]  }
0x57: {  	[hbm4b:s24+s7] =	stream.strided.scatter [tilespmem:s8], [sflag:$0x6], $0x4000, s5, s7, $0x38;
	[tilespmem:$0x1C080] =	vst v63  }
0x58: {  	s26 =	simm.s32 @!p0 $0x1C000;
	s25 =	rddreg [dreg:$0x6];
	s24 =	simm.s32 @!p0 $0x0;
	[tilespmem:$0x1C000] =	vst @!p0 v0  }
0x59: {  	[hbm4b:s25+s24] =	stream.linear.scatter @!p0 [tilespmem:s26], [sflag:$0x7], $0x1, $0x38;
	[tilespmem:$0x1C080] =	vst v63  }
0x5a: {  	_ =	swait.ge @!p0 [sflag:s28], $0x1  }
0x5b: {  	[sflag:s28] =	ssyncset.done @!p0 $0x0  }
0x5c: {  	[sflag:s28] =	ssyncadd.s32 @!p0 $0xFFFFFFFF  }
0x5d: {  	_ =	swait.ge [sflag:s12], $0xC000  }
0x5e: {  	[sflag:s12] =	ssyncset.done $0x0  }
0x5f: {  	[sflag:s12] =	ssyncadd.s32 $0xFFFF4000  }
0x60: {  	_ =	swait.ge [sflag:s6], $0xC000  }
0x61: {  	[sflag:s6] =	ssyncset.done $0x0  }
0x62: {  	[sflag:s6] =	ssyncadd.s32 $0xFFFF4000  }
0x63: {  	_ =	swait.ge [sflag:s14], $0x4000  }
0x64: {  	s30 =	rddreg [dreg:$0xe];
	[sflag:s14] =	ssyncset.done $0x0  }
0x65: {  	s31 =	rddreg [dreg:$0x5];
	[sflag:s14] =	ssyncadd.s32 $0xFFFFC000  }
0x66: {  	[tilespmem:s30], [sflag:$0x7] =	stream.linear.gather [hbm4b:s31+s4], $0x80, $0x38;
	[tilespmem:$0x1C080] =	vst v63  }
0x67: {  	_ =	swait.ge [sflag:s17], $0x80  }
0x68: {  	[sflag:s17] =	ssyncset.done $0x0  }
0x69: {  	[sflag:s17] =	ssyncadd.s32 $0xFFFFFF80  }
0x6a: {  	v0 =	vld [tilespmem:$0x1C000];
	_ =	sdelay $0x4  }
0x6b: {  	(v2sf) =	vpush v0, $0x0;
	_ =	sdelay $0xe  }
0x6c: {  	s24 =	spop (v2sf)  }
0x6d: {  	p2 =	sgt.s32 s24, $0x0  }
0x6e: {  	s24 =	simm.s32 @!p2 $0x0  }
0x6f: {  	s25 =	smin.u32 s24, $0xF000  }
0x70: {  	s28 =	rddreg [dreg:$0x7];
	p2 =	slt.u32 s10, s25  }
0x71: {  	s28 =	smov.u32 @p2 s10  }
0x72: {  	s29 =	rddreg [dreg:$0xf];
	s30 =	sadd.s32 s3, s28  }
0x73: {  	[tilespmem:s4], [sflag:$0x1] =	stream.strided.gather [hbm4b:s30+s11], $0xC000, s5, s11, $0x38;
	[tilespmem:$0x1C080] =	vst v63  }
0x74: {  	s23 =	sadd.s32 $0xFFFFFFFF, s23;
	s31 =	rddreg [dreg:$0x8]  }
0x75: {  	[tilespmem:s8], [sflag:$0x5] =	stream.strided.gather [hbm4b:s31+s7], $0x4000, s29, s7, $0x38;
	[tilespmem:$0x1C080] =	vst v63  }
0x76: {  	p1 =	sne.s32 s23, $0x0;
	s24 =	sshrl.u32 s25, $0x7;
	_ =	swait.ge [sflag:s13], $0xC000  }
0x77: {  	p2 =	slt.u32 s22, s25;
	s29 =	rddreg [dreg:$0x9];
	[sflag:s13] =	ssyncset.done $0x0  }
0x78: {  	s28 =	sadd.s32 s2, s28;
	[sflag:s13] =	ssyncadd.s32 $0xFFFF4000;
	s29 =	smov.u32 @p2 s22  }
0x79: {  	v1 =	vadd.s32 @!p0 $0x1000, v0;
	[hbm4b:s28+s11] =	stream.strided.scatter [tilespmem:s4], [sflag:$0x3], $0xC000, s5, s11, $0x38;
	[tilespmem:$0x1C080] =	vst v63  }
.Ltmp1:
0x7a: {  	v0 =	vshra.s32 @!p0 v1, $0x1F;
	s24 =	sadd.s32 s9, s24;
	s28 =	sadd.s32 s3, s29;
	(pc) =	sbr.rel @p1 .LBB2_1-.Ltmp1, $4  }
0x7b: {  	v0 =	vshrl.u32 @!p0 v0, $0x10;
	[tilespmem:s18], [sflag:$0x2] =	stream.strided.gather [hbm4b:s28+s11], $0xC000, s5, s11, $0x38;
	[tilespmem:$0x1C080] =	vst v63  }
0x7c: {  	v0 =	vadd.s32 @!p0 v0, v1;
	s24 =	sshll.u32 s24, $0xA;
	s30 =	sand.u32 $0x78, s25;
	_ =	swait.ge [sflag:s20], $0xC000  }
0x7d: {  	v0 =	vand.u32 @!p0 $0xFFFF0000, v0;
	s26 =	sand.u32 $0x7, s25;
	s24 =	sor.u32 s30, s24;
	[sflag:s20] =	ssyncset.done $0x0  }
0x7e: {  	v0 =	vsub.s32 @!p0 v1, v0;
	s24 =	sshrl.u32 s24, $0x3;
	s28 =	sadd.s32 s2, s29;
	[sflag:s20] =	ssyncadd.s32 $0xFFFF4000  }
.LBB2_2:
0x7f: {  	[hbm4b:s28+s11] =	stream.strided.scatter [tilespmem:s18], [sflag:$0x4], $0xC000, s5, s11, $0x38;
	[tilespmem:$0x1C080] =	vst v63  }
0x80: {  	_ =	swait.ge [sflag:s6], $0xC000  }
0x81: {  	p1 =	slt.u32 s21, s25;
	s9 =	rddreg [dreg:$0xa]  }
0x82: {  	[sflag:s6] =	ssyncset.done $0x0;
	s9 =	smov.u32 @p1 s21  }
0x83: {  	[sflag:s6] =	ssyncadd.s32 $0xFFFF4000;
	s10 =	sadd.s32 s3, s9  }
0x84: {  	[tilespmem:s4], [sflag:$0x1] =	stream.strided.gather [hbm4b:s10+s11], $0xC000, s5, s11, $0x38;
	[tilespmem:$0x1C080] =	vst v63  }
0x85: {  	_ =	swait.ge [sflag:s13], $0xC000  }
0x86: {  	[sflag:s13] =	ssyncset.done $0x0  }
0x87: {  	s9 =	sadd.s32 s2, s9;
	[sflag:s13] =	ssyncadd.s32 $0xFFFF4000  }
0x88: {  	[hbm4b:s9+s11] =	stream.strided.scatter [tilespmem:s4], [sflag:$0x3], $0xC000, s5, s11, $0x38;
	[tilespmem:$0x1C080] =	vst v63  }
0x89: {  	_ =	swait.ge [sflag:s12], $0xC000  }
0x8a: {  	p1 =	slt.u32 s15, s25;
	s9 =	rddreg [dreg:$0xb]  }
0x8b: {  	[sflag:s12] =	ssyncset.done $0x0;
	s9 =	smov.u32 @p1 s15  }
0x8c: {  	[sflag:s12] =	ssyncadd.s32 $0xFFFF4000;
	s28 =	sadd.s32 s3, s9  }
0x8d: {  	[tilespmem:s18], [sflag:$0x2] =	stream.strided.gather [hbm4b:s28+s11], $0xC000, s5, s11, $0x38;
	[tilespmem:$0x1C080] =	vst v63  }
0x8e: {  	_ =	swait.ge [sflag:s20], $0xC000  }
0x8f: {  	[sflag:s20] =	ssyncset.done $0x0  }
0x90: {  	s9 =	sadd.s32 s2, s9;
	[sflag:s20] =	ssyncadd.s32 $0xFFFF4000  }
0x91: {  	[hbm4b:s9+s11] =	stream.strided.scatter [tilespmem:s18], [sflag:$0x4], $0xC000, s5, s11, $0x38;
	[tilespmem:$0x1C080] =	vst v63  }
0x92: {  	_ =	swait.ge [sflag:s6], $0xC000  }
0x93: {  	p1 =	slt.u32 s16, s25;
	s9 =	rddreg [dreg:$0xc]  }
0x94: {  	[sflag:s6] =	ssyncset.done $0x0;
	s9 =	smov.u32 @p1 s16  }
0x95: {  	[sflag:s6] =	ssyncadd.s32 $0xFFFF4000;
	s29 =	sadd.s32 s3, s9  }
0x96: {  	[tilespmem:s4], [sflag:$0x1] =	stream.strided.gather [hbm4b:s29+s11], $0xC000, s5, s11, $0x38;
	[tilespmem:$0x1C080] =	vst v63  }
0x97: {  	_ =	swait.ge [sflag:s13], $0xC000  }
0x98: {  	[sflag:s13] =	ssyncset.done $0x0  }
0x99: {  	s30 =	sadd.s32 s2, s9;
	[sflag:s13] =	ssyncadd.s32 $0xFFFF4000  }
0x9a: {  	[hbm4b:s30+s11] =	stream.strided.scatter [tilespmem:s4], [sflag:$0x3], $0xC000, s5, s11, $0x38;
	[tilespmem:$0x1C080] =	vst v63  }
0x9b: {  	_ =	swait.ge [sflag:s19], $0x4000  }
0x9c: {  	s3 =	sld [smem:$0x7FF];
	_ =	sdelay $0x1  }
0x9d: {  	p1 =	seq.s32 s26, $0x0  }
0x9e: {  	p2 =	sne.s32 @!p1 s3, $0x1  }
0x9f: {  	s4 =	rddreg [dreg:$0xd];
	[sflag:s19] =	ssyncset.done $0x0;
	p1 =	por !p2, p1  }
0xa0: {  	[sflag:s19] =	ssyncadd.s32 $0xFFFFC000;
	s3 =	sor.u32 @!p1 $0x100000, s4  }
0xa1: {  	[smem:s3], [sflag:$0x0] =	smem.add.s32 @!p1 $0x1DF;
	s3 =	simm.s32 @!p1 $0x0  }
0xa2: {  	s4 =	simm.s32 @!p1 $0x1;
	_ =	swait.done @!p1 [sflag:s3]  }
0xa3: {  	[smem:$0x7FF] =	sst @!p1 s4  }
0xa4: {  	_ =	sint @!p1 $0x2  }
0xa5: {  	s31 =	sadd.s32 s2, s24;
	s2 =	simm.s32 @!p0 $0x0;
	_ =	swait.notdone @!p1 [sflag:s3]  }
0xa6: {  	[hbm4b:s31+s7] =	stream.strided.scatter [tilespmem:s8], [sflag:$0x6], $0x4000, s5, s7, $0x38;
	[tilespmem:$0x1C080] =	vst v63  }
0xa7: {  	s4 =	simm.s32 @!p0 $0x1C000;
	s3 =	rddreg [dreg:$0x6];
	s5 =	simm.s32 @!p0 $0x7;
	[tilespmem:$0x1C000] =	vst @!p0 v0  }
0xa8: {  	[hbm4b:s3+s2] =	stream.linear.scatter @!p0 [tilespmem:s4], [sflag:$0x7], $0x1, $0x38;
	[tilespmem:$0x1C080] =	vst v63  }
0xa9: {  	_ =	swait.ge @!p0 [sflag:s5], $0x1  }
0xaa: {  	[sflag:s5] =	ssyncset.done @!p0 $0x0  }
0xab: {  	[sflag:s5] =	ssyncadd.s32 @!p0 $0xFFFFFFFF  }
0xac: {  	_ =	swait.ge [sflag:s12], $0xC000  }
0xad: {  	[sflag:s12] =	ssyncset.done $0x0  }
0xae: {  	[sflag:s12] =	ssyncadd.s32 $0xFFFF4000  }
0xaf: {  	_ =	swait.ge [sflag:s6], $0xC000  }
0xb0: {  	[sflag:s6] =	ssyncset.done $0x0  }
0xb1: {  	[sflag:s6] =	ssyncadd.s32 $0xFFFF4000  }
0xb2: {  	_ =	swait.ge [sflag:s14], $0x4000  }
0xb3: {  	[sflag:s14] =	ssyncset.done $0x0  }
0xb4: {  	[sflag:s14] =	ssyncadd.s32 $0xFFFFC000  }
0xb5: {  	_ =	sfence.sel $0x180000  }
0xb6: {  	[bflag:$0x0] =	sbarrier.arrive $0xFFFF  }
0xb7: {  	p0 =	sne.s32 s0, $0x0;
	_ =	strace $0x90000047  }
0xb8: {  	s0 =	sadd.s32 @!p0 $0x100000, s1;
	[bflag:$0x2] =	sbarrier.arrive $0xFFFF  }
0xb9: {  	[sflag:s0] =	ssyncadd.tile.s32 @!p0 $0x1;
	_ =	shalt  }
.Lfunc_end2:
_tile_overlayer_lowered:
.L_overlay_start_2:
0xba: {  	(tag) =	ssettag $0x2  }
0xbb: {  	s0 =	rddreg [dreg:$0x0];
	s2 =	stileid.u32  }
0xbc: {  	s1 =	rddreg [dreg:$0x1];
	p0 =	sne.s32 s2, $0x0  }
0xbd: {  	s3 =	rddreg [dreg:$0x2];
	[bflag:$0x3] =	sbarrier.arrive $0xFFFF;
	s2 =	simm.s32 @!p0 $0x1C07  }
0xbe: {  	[timem:s3], [sflag:s2] =	dma.local @!p0 [hbm:s0], s1  }
0xbf: {  	s0 =	simm.s32 @!p0 $0x7  }
0xc0: {  	_ =	swait.ge @!p0 [sflag:s0], s1  }
0xc1: {  	s1 =	ssub.s32 @!p0 $0x0, s1;
	[sflag:s0] =	ssyncset.done @!p0 $0x0  }
0xc2: {  	[sflag:s0] =	ssyncadd.s32 @!p0 s1  }
0xc3: {  	[bflag:$0x3] =	sbarrier.arrive $0xFFFF  }
0xc4: {  	_ =	shalt  }

</sc_bundles>
